<compile_context>
chip_gen: v7x
topology: tpu7x:2x2x1
jax: 0.10.2.dev20260603
libtpu: 0.0.44.dev20260713+nightly
codegen_flags: <defaults>
</compile_context>

<pallas_src>
import functools
import math

import jax
import jax.numpy as jnp
import numpy as np
from jax import lax
from jax.experimental import pallas as pl
from jax.experimental.pallas import tpu as pltpu
from jax.experimental.pallas import tpu_sc as plsc

_HIDDEN = 128
_MAX_LEN = 512


def _pe_table(d_model, max_len):
    pe = np.zeros((max_len, d_model), dtype=np.float32)
    position = np.arange(0, max_len, dtype=np.float32)[:, None]
    div_term = np.exp(
        np.arange(0, d_model, 2, dtype=np.float32) * -(math.log(10000.0) / d_model)
    )
    pe[:, 0::2] = np.sin(position * div_term)
    pe[:, 1::2] = np.cos(position * div_term)
    return pe


_PE = _pe_table(_HIDDEN, _MAX_LEN)

_NUM_CORES = 2
_NUM_SUBCORES = 16
_NW = _NUM_CORES * _NUM_SUBCORES
_NBUF = 4


@functools.lru_cache(maxsize=None)
def _build(B, L, V, D):
    nseq = B // _NW
    n_outer = nseq // _NBUF
    assert nseq == _NBUF * n_outer
    c1 = min(L, 128)
    c2 = L - c1
    mesh = plsc.VectorSubcoreMesh(core_axis_name="c", subcore_axis_name="s")

    @functools.partial(
        pl.kernel,
        out_type=jax.ShapeDtypeStruct((B * L, D), jnp.float32),
        mesh=mesh,
        scratch_types=[
            pltpu.VMEM((nseq, c1), jnp.int32),
            pltpu.VMEM((nseq, c2), jnp.int32),
            pltpu.VMEM((L,), jnp.int32),
            [pltpu.VMEM((L, D), jnp.float32)] * _NBUF,
            pltpu.VMEM_SHARED((V, D), jnp.float32),
            pltpu.VMEM_SHARED((L, D), jnp.float32),
            [pltpu.SemaphoreType.DMA] * _NBUF,
            [pltpu.SemaphoreType.DMA] * _NBUF,
            [pltpu.SemaphoreType.DMA] * _NBUF,
        ],
    )
    def emb_kernel(
        xa_hbm, xb_hbm, pe_hbm, t_hbm, iota_hbm, out_hbm,
        idx_a, idx_b, idx_pe, rows, t_sp, pe_sp, gsems, asems, ssems,
    ):
        sid = lax.axis_index("s")
        wid = sid * _NUM_CORES + lax.axis_index("c")
        base0 = wid * nseq * L

        def gather_copies(k, s):
            return (
                pltpu.make_async_copy(
                    t_sp.at[idx_a.at[s]], rows[k].at[pl.ds(0, c1)], gsems[k]
                ),
                pltpu.make_async_copy(
                    t_sp.at[idx_b.at[s]], rows[k].at[pl.ds(c1, c2)], gsems[k]
                ),
            )

        def pe_copies(k):
            return (
                pltpu.make_async_copy(
                    pe_sp.at[idx_pe.at[pl.ds(0, c1)]],
                    rows[k].at[pl.ds(0, c1)],
                    asems[k],
                ),
                pltpu.make_async_copy(
                    pe_sp.at[idx_pe.at[pl.ds(c1, c2)]],
                    rows[k].at[pl.ds(c1, c2)],
                    asems[k],
                ),
            )

        def start_pe(k):
            pltpu.async_copy(
                pe_sp.at[idx_pe.at[pl.ds(0, c1)]],
                rows[k].at[pl.ds(0, c1)],
                asems[k],
                add=True,
            )
            pltpu.async_copy(
                pe_sp.at[idx_pe.at[pl.ds(c1, c2)]],
                rows[k].at[pl.ds(c1, c2)],
                asems[k],
                add=True,
            )

        def store_copy(k, s):
            return pltpu.make_async_copy(
                rows[k], out_hbm.at[pl.ds(base0 + s * L, L)], ssems[k]
            )

        n_stage = 5
        per_stage = V // n_stage

        @pl.when(sid < n_stage)
        def _():
            pltpu.sync_copy(
                t_hbm.at[pl.ds(sid * per_stage, per_stage)],
                t_sp.at[pl.ds(sid * per_stage, per_stage)],
            )

        @pl.when(sid == n_stage)
        def _():
            pltpu.sync_copy(pe_hbm, pe_sp)

        pltpu.sync_copy(xa_hbm.at[wid], idx_a)
        pltpu.sync_copy(xb_hbm.at[wid], idx_b)
        pltpu.sync_copy(iota_hbm, idx_pe)
        plsc.subcore_barrier()
        for k in range(_NBUF - 1):
            for c in gather_copies(k, k):
                c.start()

        def body(i, carry):
            for k in range(_NBUF):
                s = _NBUF * i + k
                for c in gather_copies(k, s):
                    c.wait()
                start_pe(k)
                pk = (k + _NBUF - 1) % _NBUF
                if k == 0:

                    @pl.when(s > 0)
                    def _():
                        store_copy(pk, s - 1).wait()

                    for c in gather_copies(pk, s + _NBUF - 1):
                        c.start()
                else:

                    @pl.when(i < n_outer - 1)
                    def _():
                        store_copy(pk, s - 1).wait()
                        for c in gather_copies(pk, s + _NBUF - 1):
                            c.start()

                for c in pe_copies(k):
                    c.wait()
                store_copy(k, s).start()
            return carry

        lax.fori_loop(0, n_outer, body, 0)

        for k in range(_NBUF):
            s = nseq - _NBUF + k
            store_copy(s % _NBUF, s).wait()

    return emb_kernel


def kernel(x, pos_num, table):
    B, L = x.shape
    V, D = table.shape
    t = table.at[0].set(0.0)
    pe = jnp.asarray(_PE[:L])
    iota = jnp.arange(L, dtype=jnp.int32)
    nseq = B // _NW
    c1 = min(L, 128)
    x3 = x.reshape(_NW, nseq, L).astype(jnp.int32)
    xa = x3[:, :, :c1]
    xb = x3[:, :, c1:]
    out = _build(B, L, V, D)(xa, xb, pe, t, iota)
    return out.reshape(B, L, D)

# --- scband reference (transcript-rebuilt; emitter-appended) ---
"""Pipeline reference for scband-smiles-embedding-52398601011917 (READ-ONLY COPY).

The authoritative reference and input builder live on the scoring server;
editing this copy changes nothing except your own understanding.
"""

import jax, jax.numpy as jnp
import numpy as np
import math

VOCAB = 1000
HIDDEN = 128
MAX_LEN = 512
B, L = 1024, 200

def _make_pe(d_model, max_len):
    pe = np.zeros((max_len, d_model), dtype=np.float32)
    position = np.arange(0, max_len, dtype=np.float32)[:, None]
    div_term = np.exp(np.arange(0, d_model, 2, dtype=np.float32) * -(math.log(10000.0) / d_model))
    pe[:, 0::2] = np.sin(position * div_term)
    pe[:, 1::2] = np.cos(position * div_term)
    return jnp.asarray(pe)[None, :, :]  # [1, max_len, d_model]

def setup_inputs(seed: int = 0) -> dict:
    key = jax.random.key(seed)
    k1, k2 = jax.random.split(key)
    x = jax.random.randint(k1, (B, L), 0, VOCAB, dtype=jnp.int64 if jax.config.jax_enable_x64 else jnp.int32)
    pos_num = jnp.zeros((B, L), dtype=jnp.float32)
    table = jax.random.normal(k2, (VOCAB, HIDDEN), dtype=jnp.float32)
    return {"x": x, "pos_num": pos_num, "table": table}

def reference(x, pos_num, table):
    # nn.Embedding with padding_idx=0: row 0 is zeros
    t = table.at[0].set(0.0)
    smiles_embedding = jnp.take(t, x, axis=0)            # [B, L, HIDDEN]
    pe = _make_pe(HIDDEN, MAX_LEN)                        # buffer, non-trainable
    pos_embedding = pe[:, :pos_num.shape[1]]              # [1, L, HIDDEN]
    final_embedding = smiles_embedding + pos_embedding
    # dropout is identity in eval mode
    return final_embedding

if __name__ == "__main__":
    import jax
    _d = setup_inputs()
    print(jax.jit(kernel)(*tuple(_d.values())))

</pallas_src>

<mosaic_0001>
#map = affine_map<(d0, d1) -> (0, 0, 0)>
#map1 = affine_map<(d0, d1) -> (0, 0)>
#map2 = affine_map<(d0, d1) -> (0)>
module attributes {stable_mosaic.version = 14 : i64} {
  func.func @emb_kernel(%arg0: i32, %arg1: i32, %arg2: memref<32x32x128xi32, #tpu.memory_space<hbm>>, %arg3: memref<32x32x72xi32, #tpu.memory_space<hbm>>, %arg4: memref<200x128xf32, #tpu.memory_space<hbm>>, %arg5: memref<1000x128xf32, #tpu.memory_space<hbm>>, %arg6: memref<200xi32, #tpu.memory_space<hbm>>, %arg7: memref<204800x128xf32, #tpu.memory_space<hbm>>, %arg8: memref<32x128xi32, #tpu.memory_space<vmem>>, %arg9: memref<32x72xi32, #tpu.memory_space<vmem>>, %arg10: memref<200xi32, #tpu.memory_space<vmem>>, %arg11: memref<200x128xf32, #tpu.memory_space<vmem>>, %arg12: memref<200x128xf32, #tpu.memory_space<vmem>>, %arg13: memref<200x128xf32, #tpu.memory_space<vmem>>, %arg14: memref<200x128xf32, #tpu.memory_space<vmem>>, %arg15: memref<1000x128xf32, #tpu.memory_space<vmem_shared>>, %arg16: memref<200x128xf32, #tpu.memory_space<vmem_shared>>, %arg17: memref<!tpu.dma_semaphore, #tpu.memory_space<semaphore_mem>>, %arg18: memref<!tpu.dma_semaphore, #tpu.memory_space<semaphore_mem>>, %arg19: memref<!tpu.dma_semaphore, #tpu.memory_space<semaphore_mem>>, %arg20: memref<!tpu.dma_semaphore, #tpu.memory_space<semaphore_mem>>, %arg21: memref<!tpu.dma_semaphore, #tpu.memory_space<semaphore_mem>>, %arg22: memref<!tpu.dma_semaphore, #tpu.memory_space<semaphore_mem>>, %arg23: memref<!tpu.dma_semaphore, #tpu.memory_space<semaphore_mem>>, %arg24: memref<!tpu.dma_semaphore, #tpu.memory_space<semaphore_mem>>, %arg25: memref<!tpu.dma_semaphore, #tpu.memory_space<semaphore_mem>>, %arg26: memref<!tpu.dma_semaphore, #tpu.memory_space<semaphore_mem>>, %arg27: memref<!tpu.dma_semaphore, #tpu.memory_space<semaphore_mem>>, %arg28: memref<!tpu.dma_semaphore, #tpu.memory_space<semaphore_mem>>) attributes {dimension_semantics = [#tpu.dimension_semantics<core_parallel>, #tpu.dimension_semantics<subcore_parallel>], iteration_bounds = array<i64: 2, 16>, scalar_prefetch = 0 : i64, scratch_operands = 21 : i64, tpu.core_type = #tpu.core_type<sc_vector_subcore>, window_params = [{transform_indices = #map}, {transform_indices = #map}, {transform_indices = #map1}, {transform_indices = #map1}, {transform_indices = #map2}, {transform_indices = #map1}]} {
    %mul3A = arith.constant 2 : i32
    %mul3A_0 = arith.muli %arg1, %mul3A : i32
    %add3A = arith.addi %mul3A_0, %arg0 : i32
    %mul3A_1 = arith.constant 32 : i32
    %mul3A_2 = arith.muli %add3A, %mul3A_1 : i32
    %mul3A_3 = arith.constant 200 : i32
    %mul3A_4 = arith.muli %mul3A_2, %mul3A_3 : i32
    %lt3A = arith.constant 5 : i32
    %lt3A_5 = arith.cmpi slt, %arg1, %lt3A : i32
    %convert_element_type3A = arith.extui %lt3A_5 : i1 to i32
    %cond3A = arith.constant 0 : i32
    %cond3A_6 = arith.cmpi ne, %convert_element_type3A, %cond3A : i32
    scf.if %cond3A_6 {
      %mul3A_98 = arith.constant 200 : i32
      %mul3A_99 = arith.muli %arg1, %mul3A_98 : i32
      %mul3A_100 = arith.constant 200 : i32
      %mul3A_101 = arith.muli %arg1, %mul3A_100 : i32
      "tpu.region"() ({
        %run_scoped3A = tpu.sem_alloc : memref<!tpu.dma_semaphore, #tpu.memory_space<semaphore_mem>>
        %dma_start3A_102 = arith.constant 0 : i32
        %dma_start3A_103 = tpu.memref_slice %arg15[%mul3A_101, %dma_start3A_102] : memref<1000x128xf32, #tpu.memory_space<vmem_shared>> -> memref<200x128xf32, #tpu.memory_space<vmem_shared>>
        %dma_start3A_104 = arith.constant 0 : i32
        %dma_start3A_105 = tpu.memref_slice %arg5[%mul3A_99, %dma_start3A_104] : memref<1000x128xf32, #tpu.memory_space<hbm>> -> memref<200x128xf32, #tpu.memory_space<hbm>>
        tpu.enqueue_dma source(%dma_start3A_105 : memref<200x128xf32, #tpu.memory_space<hbm>>) target(%dma_start3A_103 : memref<200x128xf32, #tpu.memory_space<vmem_shared>>) target_semaphore(%run_scoped3A : memref<!tpu.dma_semaphore, #tpu.memory_space<semaphore_mem>>)
        %dma_wait3A_106 = arith.constant 0 : i32
        %dma_wait3A_107 = tpu.memref_slice %arg15[%mul3A_101, %dma_wait3A_106] : memref<1000x128xf32, #tpu.memory_space<vmem_shared>> -> memref<200x128xf32, #tpu.memory_space<vmem_shared>>
        %dma_wait3A_108 = arith.constant 0 : i32
        %dma_wait3A_109 = tpu.memref_slice %arg5[%mul3A_99, %dma_wait3A_108] : memref<1000x128xf32, #tpu.memory_space<hbm>> -> memref<200x128xf32, #tpu.memory_space<hbm>>
        tpu.wait_dma2 semaphore(%run_scoped3A : memref<!tpu.dma_semaphore, #tpu.memory_space<semaphore_mem>>) src(%dma_wait3A_109 : memref<200x128xf32, #tpu.memory_space<hbm>>) dst(%dma_wait3A_107 : memref<200x128xf32, #tpu.memory_space<vmem_shared>>)
        tpu.yield
      }) : () -> ()
    } else {
    }
    %eq3A = arith.constant 5 : i32
    %eq3A_7 = arith.cmpi eq, %arg1, %eq3A : i32
    %convert_element_type3A_8 = arith.extui %eq3A_7 : i1 to i32
    %cond3A_9 = arith.constant 0 : i32
    %cond3A_10 = arith.cmpi ne, %convert_element_type3A_8, %cond3A_9 : i32
    scf.if %cond3A_10 {
      "tpu.region"() ({
        %run_scoped3A = tpu.sem_alloc : memref<!tpu.dma_semaphore, #tpu.memory_space<semaphore_mem>>
        tpu.enqueue_dma source(%arg4 : memref<200x128xf32, #tpu.memory_space<hbm>>) target(%arg16 : memref<200x128xf32, #tpu.memory_space<vmem_shared>>) target_semaphore(%run_scoped3A : memref<!tpu.dma_semaphore, #tpu.memory_space<semaphore_mem>>)
        tpu.wait_dma2 semaphore(%run_scoped3A : memref<!tpu.dma_semaphore, #tpu.memory_space<semaphore_mem>>) src(%arg4 : memref<200x128xf32, #tpu.memory_space<hbm>>) dst(%arg16 : memref<200x128xf32, #tpu.memory_space<vmem_shared>>)
        tpu.yield
      }) : () -> ()
    } else {
    }
    "tpu.region"() ({
      %run_scoped3A = tpu.sem_alloc : memref<!tpu.dma_semaphore, #tpu.memory_space<semaphore_mem>>
      %dma_start3A_98 = arith.constant 0 : i32
      %dma_start3A_99 = arith.constant 0 : i32
      %dma_start3A_100 = tpu.memref_slice %arg2[%add3A, %dma_start3A_98, %dma_start3A_99] : memref<32x32x128xi32, #tpu.memory_space<hbm>> -> memref<1x32x128xi32, #tpu.memory_space<hbm>>
      %dma_start3A_101 = tpu.memref_squeeze %dma_start3A_100 : memref<1x32x128xi32, #tpu.memory_space<hbm>> -> memref<32x128xi32, #tpu.memory_space<hbm>>
      %dma_start3A_102 = arith.constant 0 : i32
      %dma_start3A_103 = arith.constant 0 : i32
      %dma_start3A_104 = tpu.memref_slice %arg2[%add3A, %dma_start3A_102, %dma_start3A_103] : memref<32x32x128xi32, #tpu.memory_space<hbm>> -> memref<1x32x128xi32, #tpu.memory_space<hbm>>
      %dma_start3A_105 = tpu.memref_squeeze %dma_start3A_104 : memref<1x32x128xi32, #tpu.memory_space<hbm>> -> memref<32x128xi32, #tpu.memory_space<hbm>>
      tpu.enqueue_dma source(%dma_start3A_105 : memref<32x128xi32, #tpu.memory_space<hbm>>) target(%arg8 : memref<32x128xi32, #tpu.memory_space<vmem>>) target_semaphore(%run_scoped3A : memref<!tpu.dma_semaphore, #tpu.memory_space<semaphore_mem>>)
      %dma_wait3A_106 = arith.constant 0 : i32
      %dma_wait3A_107 = arith.constant 0 : i32
      %dma_wait3A_108 = tpu.memref_slice %arg2[%add3A, %dma_wait3A_106, %dma_wait3A_107] : memref<32x32x128xi32, #tpu.memory_space<hbm>> -> memref<1x32x128xi32, #tpu.memory_space<hbm>>
      %dma_wait3A_109 = tpu.memref_squeeze %dma_wait3A_108 : memref<1x32x128xi32, #tpu.memory_space<hbm>> -> memref<32x128xi32, #tpu.memory_space<hbm>>
      %dma_wait3A_110 = arith.constant 0 : i32
      %dma_wait3A_111 = arith.constant 0 : i32
      %dma_wait3A_112 = tpu.memref_slice %arg2[%add3A, %dma_wait3A_110, %dma_wait3A_111] : memref<32x32x128xi32, #tpu.memory_space<hbm>> -> memref<1x32x128xi32, #tpu.memory_space<hbm>>
      %dma_wait3A_113 = tpu.memref_squeeze %dma_wait3A_112 : memref<1x32x128xi32, #tpu.memory_space<hbm>> -> memref<32x128xi32, #tpu.memory_space<hbm>>
      tpu.wait_dma2 semaphore(%run_scoped3A : memref<!tpu.dma_semaphore, #tpu.memory_space<semaphore_mem>>) src(%dma_wait3A_113 : memref<32x128xi32, #tpu.memory_space<hbm>>) dst(%arg8 : memref<32x128xi32, #tpu.memory_space<vmem>>)
      tpu.yield
    }) : () -> ()
    "tpu.region"() ({
      %run_scoped3A = tpu.sem_alloc : memref<!tpu.dma_semaphore, #tpu.memory_space<semaphore_mem>>
      %dma_start3A_98 = arith.constant 0 : i32
      %dma_start3A_99 = arith.constant 0 : i32
      %dma_start3A_100 = tpu.memref_slice %arg3[%add3A, %dma_start3A_98, %dma_start3A_99] : memref<32x32x72xi32, #tpu.memory_space<hbm>> -> memref<1x32x72xi32, #tpu.memory_space<hbm>>
      %dma_start3A_101 = tpu.memref_squeeze %dma_start3A_100 : memref<1x32x72xi32, #tpu.memory_space<hbm>> -> memref<32x72xi32, #tpu.memory_space<hbm>>
      %dma_start3A_102 = arith.constant 0 : i32
      %dma_start3A_103 = arith.constant 0 : i32
      %dma_start3A_104 = tpu.memref_slice %arg3[%add3A, %dma_start3A_102, %dma_start3A_103] : memref<32x32x72xi32, #tpu.memory_space<hbm>> -> memref<1x32x72xi32, #tpu.memory_space<hbm>>
      %dma_start3A_105 = tpu.memref_squeeze %dma_start3A_104 : memref<1x32x72xi32, #tpu.memory_space<hbm>> -> memref<32x72xi32, #tpu.memory_space<hbm>>
      tpu.enqueue_dma source(%dma_start3A_105 : memref<32x72xi32, #tpu.memory_space<hbm>>) target(%arg9 : memref<32x72xi32, #tpu.memory_space<vmem>>) target_semaphore(%run_scoped3A : memref<!tpu.dma_semaphore, #tpu.memory_space<semaphore_mem>>)
      %dma_wait3A_106 = arith.constant 0 : i32
      %dma_wait3A_107 = arith.constant 0 : i32
      %dma_wait3A_108 = tpu.memref_slice %arg3[%add3A, %dma_wait3A_106, %dma_wait3A_107] : memref<32x32x72xi32, #tpu.memory_space<hbm>> -> memref<1x32x72xi32, #tpu.memory_space<hbm>>
      %dma_wait3A_109 = tpu.memref_squeeze %dma_wait3A_108 : memref<1x32x72xi32, #tpu.memory_space<hbm>> -> memref<32x72xi32, #tpu.memory_space<hbm>>
      %dma_wait3A_110 = arith.constant 0 : i32
      %dma_wait3A_111 = arith.constant 0 : i32
      %dma_wait3A_112 = tpu.memref_slice %arg3[%add3A, %dma_wait3A_110, %dma_wait3A_111] : memref<32x32x72xi32, #tpu.memory_space<hbm>> -> memref<1x32x72xi32, #tpu.memory_space<hbm>>
      %dma_wait3A_113 = tpu.memref_squeeze %dma_wait3A_112 : memref<1x32x72xi32, #tpu.memory_space<hbm>> -> memref<32x72xi32, #tpu.memory_space<hbm>>
      tpu.wait_dma2 semaphore(%run_scoped3A : memref<!tpu.dma_semaphore, #tpu.memory_space<semaphore_mem>>) src(%dma_wait3A_113 : memref<32x72xi32, #tpu.memory_space<hbm>>) dst(%arg9 : memref<32x72xi32, #tpu.memory_space<vmem>>)
      tpu.yield
    }) : () -> ()
    "tpu.region"() ({
      %run_scoped3A = tpu.sem_alloc : memref<!tpu.dma_semaphore, #tpu.memory_space<semaphore_mem>>
      tpu.enqueue_dma source(%arg6 : memref<200xi32, #tpu.memory_space<hbm>>) target(%arg10 : memref<200xi32, #tpu.memory_space<vmem>>) target_semaphore(%run_scoped3A : memref<!tpu.dma_semaphore, #tpu.memory_space<semaphore_mem>>)
      tpu.wait_dma2 semaphore(%run_scoped3A : memref<!tpu.dma_semaphore, #tpu.memory_space<semaphore_mem>>) src(%arg6 : memref<200xi32, #tpu.memory_space<hbm>>) dst(%arg10 : memref<200xi32, #tpu.memory_space<vmem>>)
      tpu.yield
    }) : () -> ()
    %barrier3A = arith.constant 0 : index
    tpu.barrier barrier_id(%barrier3A)
    %dma_start3A = arith.constant 0 : i32
    %dma_start3A_11 = arith.constant 0 : i32
    %dma_start3A_12 = arith.constant 0 : i32
    %dma_start3A_13 = tpu.memref_slice %arg11[%dma_start3A_11, %dma_start3A_12] : memref<200x128xf32, #tpu.memory_space<vmem>> -> memref<128x128xf32, #tpu.memory_space<vmem>>
    %dma_start3A_14 = arith.constant 0 : i32
    %dma_start3A_15 = tpu.memref_slice %arg8[%dma_start3A, %dma_start3A_14] : memref<32x128xi32, #tpu.memory_space<vmem>> -> memref<1x128xi32, #tpu.memory_space<vmem>>
    %dma_start3A_16 = tpu.memref_squeeze %dma_start3A_15 : memref<1x128xi32, #tpu.memory_space<vmem>> -> memref<128xi32, #tpu.memory_space<vmem>>
    %dma_start3A_17 = arith.constant 0 : i32
    %dma_start3A_18 = arith.constant 0 : i32
    %dma_start3A_19 = tpu.memref_slice %arg15[%dma_start3A_17, %dma_start3A_18] : memref<1000x128xf32, #tpu.memory_space<vmem_shared>> -> memref<1000x128xf32, #tpu.memory_space<vmem_shared>>
    tpu.enqueue_indirect_dma source(%dma_start3A_19 : memref<1000x128xf32, #tpu.memory_space<vmem_shared>>) target(%dma_start3A_13 : memref<128x128xf32, #tpu.memory_space<vmem>>) offsets(%dma_start3A_16 : memref<128xi32, #tpu.memory_space<vmem>>) semaphore(%arg17 : memref<!tpu.dma_semaphore, #tpu.memory_space<semaphore_mem>>)
    %dma_start3A_20 = arith.constant 0 : i32
    %dma_start3A_21 = arith.constant 128 : i32
    %dma_start3A_22 = arith.constant 0 : i32
    %dma_start3A_23 = tpu.memref_slice %arg11[%dma_start3A_21, %dma_start3A_22] : memref<200x128xf32, #tpu.memory_space<vmem>> -> memref<72x128xf32, #tpu.memory_space<vmem>>
    %dma_start3A_24 = arith.constant 0 : i32
    %dma_start3A_25 = tpu.memref_slice %arg9[%dma_start3A_20, %dma_start3A_24] : memref<32x72xi32, #tpu.memory_space<vmem>> -> memref<1x72xi32, #tpu.memory_space<vmem>>
    %dma_start3A_26 = tpu.memref_squeeze %dma_start3A_25 : memref<1x72xi32, #tpu.memory_space<vmem>> -> memref<72xi32, #tpu.memory_space<vmem>>
    %dma_start3A_27 = arith.constant 0 : i32
    %dma_start3A_28 = arith.constant 0 : i32
    %dma_start3A_29 = tpu.memref_slice %arg15[%dma_start3A_27, %dma_start3A_28] : memref<1000x128xf32, #tpu.memory_space<vmem_shared>> -> memref<1000x128xf32, #tpu.memory_space<vmem_shared>>
    tpu.enqueue_indirect_dma source(%dma_start3A_29 : memref<1000x128xf32, #tpu.memory_space<vmem_shared>>) target(%dma_start3A_23 : memref<72x128xf32, #tpu.memory_space<vmem>>) offsets(%dma_start3A_26 : memref<72xi32, #tpu.memory_space<vmem>>) semaphore(%arg17 : memref<!tpu.dma_semaphore, #tpu.memory_space<semaphore_mem>>)
    %dma_start3A_30 = arith.constant 1 : i32
    %dma_start3A_31 = arith.constant 0 : i32
    %dma_start3A_32 = arith.constant 0 : i32
    %dma_start3A_33 = tpu.memref_slice %arg12[%dma_start3A_31, %dma_start3A_32] : memref<200x128xf32, #tpu.memory_space<vmem>> -> memref<128x128xf32, #tpu.memory_space<vmem>>
    %dma_start3A_34 = arith.constant 0 : i32
    %dma_start3A_35 = tpu.memref_slice %arg8[%dma_start3A_30, %dma_start3A_34] : memref<32x128xi32, #tpu.memory_space<vmem>> -> memref<1x128xi32, #tpu.memory_space<vmem>>
    %dma_start3A_36 = tpu.memref_squeeze %dma_start3A_35 : memref<1x128xi32, #tpu.memory_space<vmem>> -> memref<128xi32, #tpu.memory_space<vmem>>
    %dma_start3A_37 = arith.constant 0 : i32
    %dma_start3A_38 = arith.constant 0 : i32
    %dma_start3A_39 = tpu.memref_slice %arg15[%dma_start3A_37, %dma_start3A_38] : memref<1000x128xf32, #tpu.memory_space<vmem_shared>> -> memref<1000x128xf32, #tpu.memory_space<vmem_shared>>
    tpu.enqueue_indirect_dma source(%dma_start3A_39 : memref<1000x128xf32, #tpu.memory_space<vmem_shared>>) target(%dma_start3A_33 : memref<128x128xf32, #tpu.memory_space<vmem>>) offsets(%dma_start3A_36 : memref<128xi32, #tpu.memory_space<vmem>>) semaphore(%arg18 : memref<!tpu.dma_semaphore, #tpu.memory_space<semaphore_mem>>)
    %dma_start3A_40 = arith.constant 1 : i32
    %dma_start3A_41 = arith.constant 128 : i32
    %dma_start3A_42 = arith.constant 0 : i32
    %dma_start3A_43 = tpu.memref_slice %arg12[%dma_start3A_41, %dma_start3A_42] : memref<200x128xf32, #tpu.memory_space<vmem>> -> memref<72x128xf32, #tpu.memory_space<vmem>>
    %dma_start3A_44 = arith.constant 0 : i32
    %dma_start3A_45 = tpu.memref_slice %arg9[%dma_start3A_40, %dma_start3A_44] : memref<32x72xi32, #tpu.memory_space<vmem>> -> memref<1x72xi32, #tpu.memory_space<vmem>>
    %dma_start3A_46 = tpu.memref_squeeze %dma_start3A_45 : memref<1x72xi32, #tpu.memory_space<vmem>> -> memref<72xi32, #tpu.memory_space<vmem>>
    %dma_start3A_47 = arith.constant 0 : i32
    %dma_start3A_48 = arith.constant 0 : i32
    %dma_start3A_49 = tpu.memref_slice %arg15[%dma_start3A_47, %dma_start3A_48] : memref<1000x128xf32, #tpu.memory_space<vmem_shared>> -> memref<1000x128xf32, #tpu.memory_space<vmem_shared>>
    tpu.enqueue_indirect_dma source(%dma_start3A_49 : memref<1000x128xf32, #tpu.memory_space<vmem_shared>>) target(%dma_start3A_43 : memref<72x128xf32, #tpu.memory_space<vmem>>) offsets(%dma_start3A_46 : memref<72xi32, #tpu.memory_space<vmem>>) semaphore(%arg18 : memref<!tpu.dma_semaphore, #tpu.memory_space<semaphore_mem>>)
    %dma_start3A_50 = arith.constant 2 : i32
    %dma_start3A_51 = arith.constant 0 : i32
    %dma_start3A_52 = arith.constant 0 : i32
    %dma_start3A_53 = tpu.memref_slice %arg13[%dma_start3A_51, %dma_start3A_52] : memref<200x128xf32, #tpu.memory_space<vmem>> -> memref<128x128xf32, #tpu.memory_space<vmem>>
    %dma_start3A_54 = arith.constant 0 : i32
    %dma_start3A_55 = tpu.memref_slice %arg8[%dma_start3A_50, %dma_start3A_54] : memref<32x128xi32, #tpu.memory_space<vmem>> -> memref<1x128xi32, #tpu.memory_space<vmem>>
    %dma_start3A_56 = tpu.memref_squeeze %dma_start3A_55 : memref<1x128xi32, #tpu.memory_space<vmem>> -> memref<128xi32, #tpu.memory_space<vmem>>
    %dma_start3A_57 = arith.constant 0 : i32
    %dma_start3A_58 = arith.constant 0 : i32
    %dma_start3A_59 = tpu.memref_slice %arg15[%dma_start3A_57, %dma_start3A_58] : memref<1000x128xf32, #tpu.memory_space<vmem_shared>> -> memref<1000x128xf32, #tpu.memory_space<vmem_shared>>
    tpu.enqueue_indirect_dma source(%dma_start3A_59 : memref<1000x128xf32, #tpu.memory_space<vmem_shared>>) target(%dma_start3A_53 : memref<128x128xf32, #tpu.memory_space<vmem>>) offsets(%dma_start3A_56 : memref<128xi32, #tpu.memory_space<vmem>>) semaphore(%arg19 : memref<!tpu.dma_semaphore, #tpu.memory_space<semaphore_mem>>)
    %dma_start3A_60 = arith.constant 2 : i32
    %dma_start3A_61 = arith.constant 128 : i32
    %dma_start3A_62 = arith.constant 0 : i32
    %dma_start3A_63 = tpu.memref_slice %arg13[%dma_start3A_61, %dma_start3A_62] : memref<200x128xf32, #tpu.memory_space<vmem>> -> memref<72x128xf32, #tpu.memory_space<vmem>>
    %dma_start3A_64 = arith.constant 0 : i32
    %dma_start3A_65 = tpu.memref_slice %arg9[%dma_start3A_60, %dma_start3A_64] : memref<32x72xi32, #tpu.memory_space<vmem>> -> memref<1x72xi32, #tpu.memory_space<vmem>>
    %dma_start3A_66 = tpu.memref_squeeze %dma_start3A_65 : memref<1x72xi32, #tpu.memory_space<vmem>> -> memref<72xi32, #tpu.memory_space<vmem>>
    %dma_start3A_67 = arith.constant 0 : i32
    %dma_start3A_68 = arith.constant 0 : i32
    %dma_start3A_69 = tpu.memref_slice %arg15[%dma_start3A_67, %dma_start3A_68] : memref<1000x128xf32, #tpu.memory_space<vmem_shared>> -> memref<1000x128xf32, #tpu.memory_space<vmem_shared>>
    tpu.enqueue_indirect_dma source(%dma_start3A_69 : memref<1000x128xf32, #tpu.memory_space<vmem_shared>>) target(%dma_start3A_63 : memref<72x128xf32, #tpu.memory_space<vmem>>) offsets(%dma_start3A_66 : memref<72xi32, #tpu.memory_space<vmem>>) semaphore(%arg19 : memref<!tpu.dma_semaphore, #tpu.memory_space<semaphore_mem>>)
    %scan3A = arith.constant 0 : i32
    %scan3A_70 = arith.constant 0 : i32
    %scan3A_71 = arith.constant 8 : i32
    %scan3A_72 = arith.addi %scan3A_70, %scan3A_71 : i32
    %scan3A_73 = arith.constant 1 : i32
    scf.for %scan3A_98 = %scan3A_70 to %scan3A_72 step %scan3A_73  : i32 {
      %mul3A_99 = arith.constant 4 : i32
      %mul3A_100 = arith.muli %mul3A_99, %scan3A_98 : i32
      %add3A_101 = arith.constant 0 : i32
      %add3A_102 = arith.addi %mul3A_100, %add3A_101 : i32
      %dma_wait3A_103 = arith.constant 0 : i32
      %dma_wait3A_104 = arith.constant 0 : i32
      %dma_wait3A_105 = tpu.memref_slice %arg11[%dma_wait3A_103, %dma_wait3A_104] : memref<200x128xf32, #tpu.memory_space<vmem>> -> memref<128x128xf32, #tpu.memory_space<vmem>>
      %dma_wait3A_106 = arith.constant 0 : i32
      %dma_wait3A_107 = tpu.memref_slice %arg8[%add3A_102, %dma_wait3A_106] : memref<32x128xi32, #tpu.memory_space<vmem>> -> memref<1x128xi32, #tpu.memory_space<vmem>>
      %dma_wait3A_108 = tpu.memref_squeeze %dma_wait3A_107 : memref<1x128xi32, #tpu.memory_space<vmem>> -> memref<128xi32, #tpu.memory_space<vmem>>
      %dma_wait3A_109 = arith.constant 0 : i32
      %dma_wait3A_110 = arith.constant 0 : i32
      %dma_wait3A_111 = tpu.memref_slice %arg15[%dma_wait3A_109, %dma_wait3A_110] : memref<1000x128xf32, #tpu.memory_space<vmem_shared>> -> memref<1000x128xf32, #tpu.memory_space<vmem_shared>>
      tpu.wait_indirect_dma semaphore(%arg17 : memref<!tpu.dma_semaphore, #tpu.memory_space<semaphore_mem>>) src(%dma_wait3A_111 : memref<1000x128xf32, #tpu.memory_space<vmem_shared>>) dst(%dma_wait3A_105 : memref<128x128xf32, #tpu.memory_space<vmem>>)
      %dma_wait3A_112 = arith.constant 128 : i32
      %dma_wait3A_113 = arith.constant 0 : i32
      %dma_wait3A_114 = tpu.memref_slice %arg11[%dma_wait3A_112, %dma_wait3A_113] : memref<200x128xf32, #tpu.memory_space<vmem>> -> memref<72x128xf32, #tpu.memory_space<vmem>>
      %dma_wait3A_115 = arith.constant 0 : i32
      %dma_wait3A_116 = tpu.memref_slice %arg9[%add3A_102, %dma_wait3A_115] : memref<32x72xi32, #tpu.memory_space<vmem>> -> memref<1x72xi32, #tpu.memory_space<vmem>>
      %dma_wait3A_117 = tpu.memref_squeeze %dma_wait3A_116 : memref<1x72xi32, #tpu.memory_space<vmem>> -> memref<72xi32, #tpu.memory_space<vmem>>
      %dma_wait3A_118 = arith.constant 0 : i32
      %dma_wait3A_119 = arith.constant 0 : i32
      %dma_wait3A_120 = tpu.memref_slice %arg15[%dma_wait3A_118, %dma_wait3A_119] : memref<1000x128xf32, #tpu.memory_space<vmem_shared>> -> memref<1000x128xf32, #tpu.memory_space<vmem_shared>>
      tpu.wait_indirect_dma semaphore(%arg17 : memref<!tpu.dma_semaphore, #tpu.memory_space<semaphore_mem>>) src(%dma_wait3A_120 : memref<1000x128xf32, #tpu.memory_space<vmem_shared>>) dst(%dma_wait3A_114 : memref<72x128xf32, #tpu.memory_space<vmem>>)
      %dma_start3A_121 = arith.constant 0 : i32
      %dma_start3A_122 = arith.constant 0 : i32
      %dma_start3A_123 = tpu.memref_slice %arg11[%dma_start3A_121, %dma_start3A_122] : memref<200x128xf32, #tpu.memory_space<vmem>> -> memref<128x128xf32, #tpu.memory_space<vmem>>
      %dma_start3A_124 = arith.constant 0 : i32
      %dma_start3A_125 = tpu.memref_slice %arg10[%dma_start3A_124] : memref<200xi32, #tpu.memory_space<vmem>> -> memref<128xi32, #tpu.memory_space<vmem>>
      %dma_start3A_126 = arith.constant 0 : i32
      %dma_start3A_127 = arith.constant 0 : i32
      %dma_start3A_128 = tpu.memref_slice %arg16[%dma_start3A_126, %dma_start3A_127] : memref<200x128xf32, #tpu.memory_space<vmem_shared>> -> memref<200x128xf32, #tpu.memory_space<vmem_shared>>
      tpu.enqueue_indirect_dma source(%dma_start3A_128 : memref<200x128xf32, #tpu.memory_space<vmem_shared>>) target(%dma_start3A_123 : memref<128x128xf32, #tpu.memory_space<vmem>>) offsets(%dma_start3A_125 : memref<128xi32, #tpu.memory_space<vmem>>) semaphore(%arg21 : memref<!tpu.dma_semaphore, #tpu.memory_space<semaphore_mem>>) {add = true}
      %dma_start3A_129 = arith.constant 128 : i32
      %dma_start3A_130 = arith.constant 0 : i32
      %dma_start3A_131 = tpu.memref_slice %arg11[%dma_start3A_129, %dma_start3A_130] : memref<200x128xf32, #tpu.memory_space<vmem>> -> memref<72x128xf32, #tpu.memory_space<vmem>>
      %dma_start3A_132 = arith.constant 128 : i32
      %dma_start3A_133 = tpu.memref_slice %arg10[%dma_start3A_132] : memref<200xi32, #tpu.memory_space<vmem>> -> memref<72xi32, #tpu.memory_space<vmem>>
      %dma_start3A_134 = arith.constant 0 : i32
      %dma_start3A_135 = arith.constant 0 : i32
      %dma_start3A_136 = tpu.memref_slice %arg16[%dma_start3A_134, %dma_start3A_135] : memref<200x128xf32, #tpu.memory_space<vmem_shared>> -> memref<200x128xf32, #tpu.memory_space<vmem_shared>>
      tpu.enqueue_indirect_dma source(%dma_start3A_136 : memref<200x128xf32, #tpu.memory_space<vmem_shared>>) target(%dma_start3A_131 : memref<72x128xf32, #tpu.memory_space<vmem>>) offsets(%dma_start3A_133 : memref<72xi32, #tpu.memory_space<vmem>>) semaphore(%arg21 : memref<!tpu.dma_semaphore, #tpu.memory_space<semaphore_mem>>) {add = true}
      %gt3A = arith.constant 0 : i32
      %gt3A_137 = arith.cmpi sgt, %add3A_102, %gt3A : i32
      %convert_element_type3A_138 = arith.extui %gt3A_137 : i1 to i32
      %cond3A_139 = arith.constant 0 : i32
      %cond3A_140 = arith.cmpi ne, %convert_element_type3A_138, %cond3A_139 : i32
      scf.if %cond3A_140 {
        %sub3A_383 = arith.constant 1 : i32
        %sub3A_384 = arith.subi %add3A_102, %sub3A_383 : i32
        %mul3A_385 = arith.constant 200 : i32
        %mul3A_386 = arith.muli %sub3A_384, %mul3A_385 : i32
        %add3A_387 = arith.addi %mul3A_4, %mul3A_386 : i32
        %dma_wait3A_388 = arith.constant 0 : i32
        %dma_wait3A_389 = tpu.memref_slice %arg7[%add3A_387, %dma_wait3A_388] : memref<204800x128xf32, #tpu.memory_space<hbm>> -> memref<200x128xf32, #tpu.memory_space<hbm>>
        %dma_wait3A_390 = arith.constant 0 : i32
        %dma_wait3A_391 = tpu.memref_slice %arg7[%add3A_387, %dma_wait3A_390] : memref<204800x128xf32, #tpu.memory_space<hbm>> -> memref<200x128xf32, #tpu.memory_space<hbm>>
        tpu.wait_dma2 semaphore(%arg28 : memref<!tpu.dma_semaphore, #tpu.memory_space<semaphore_mem>>) src(%arg14 : memref<200x128xf32, #tpu.memory_space<vmem>>) dst(%dma_wait3A_391 : memref<200x128xf32, #tpu.memory_space<hbm>>)
      } else {
      }
      %add3A_141 = arith.constant 4 : i32
      %add3A_142 = arith.addi %add3A_102, %add3A_141 : i32
      %sub3A = arith.constant 1 : i32
      %sub3A_143 = arith.subi %add3A_142, %sub3A : i32
      %dma_start3A_144 = arith.constant 0 : i32
      %dma_start3A_145 = arith.constant 0 : i32
      %dma_start3A_146 = tpu.memref_slice %arg14[%dma_start3A_144, %dma_start3A_145] : memref<200x128xf32, #tpu.memory_space<vmem>> -> memref<128x128xf32, #tpu.memory_space<vmem>>
      %dma_start3A_147 = arith.constant 0 : i32
      %dma_start3A_148 = tpu.memref_slice %arg8[%sub3A_143, %dma_start3A_147] : memref<32x128xi32, #tpu.memory_space<vmem>> -> memref<1x128xi32, #tpu.memory_space<vmem>>
      %dma_start3A_149 = tpu.memref_squeeze %dma_start3A_148 : memref<1x128xi32, #tpu.memory_space<vmem>> -> memref<128xi32, #tpu.memory_space<vmem>>
      %dma_start3A_150 = arith.constant 0 : i32
      %dma_start3A_151 = arith.constant 0 : i32
      %dma_start3A_152 = tpu.memref_slice %arg15[%dma_start3A_150, %dma_start3A_151] : memref<1000x128xf32, #tpu.memory_space<vmem_shared>> -> memref<1000x128xf32, #tpu.memory_space<vmem_shared>>
      tpu.enqueue_indirect_dma source(%dma_start3A_152 : memref<1000x128xf32, #tpu.memory_space<vmem_shared>>) target(%dma_start3A_146 : memref<128x128xf32, #tpu.memory_space<vmem>>) offsets(%dma_start3A_149 : memref<128xi32, #tpu.memory_space<vmem>>) semaphore(%arg20 : memref<!tpu.dma_semaphore, #tpu.memory_space<semaphore_mem>>)
      %dma_start3A_153 = arith.constant 128 : i32
      %dma_start3A_154 = arith.constant 0 : i32
      %dma_start3A_155 = tpu.memref_slice %arg14[%dma_start3A_153, %dma_start3A_154] : memref<200x128xf32, #tpu.memory_space<vmem>> -> memref<72x128xf32, #tpu.memory_space<vmem>>
      %dma_start3A_156 = arith.constant 0 : i32
      %dma_start3A_157 = tpu.memref_slice %arg9[%sub3A_143, %dma_start3A_156] : memref<32x72xi32, #tpu.memory_space<vmem>> -> memref<1x72xi32, #tpu.memory_space<vmem>>
      %dma_start3A_158 = tpu.memref_squeeze %dma_start3A_157 : memref<1x72xi32, #tpu.memory_space<vmem>> -> memref<72xi32, #tpu.memory_space<vmem>>
      %dma_start3A_159 = arith.constant 0 : i32
      %dma_start3A_160 = arith.constant 0 : i32
      %dma_start3A_161 = tpu.memref_slice %arg15[%dma_start3A_159, %dma_start3A_160] : memref<1000x128xf32, #tpu.memory_space<vmem_shared>> -> memref<1000x128xf32, #tpu.memory_space<vmem_shared>>
      tpu.enqueue_indirect_dma source(%dma_start3A_161 : memref<1000x128xf32, #tpu.memory_space<vmem_shared>>) target(%dma_start3A_155 : memref<72x128xf32, #tpu.memory_space<vmem>>) offsets(%dma_start3A_158 : memref<72xi32, #tpu.memory_space<vmem>>) semaphore(%arg20 : memref<!tpu.dma_semaphore, #tpu.memory_space<semaphore_mem>>)
      %dma_wait3A_162 = arith.constant 0 : i32
      %dma_wait3A_163 = arith.constant 0 : i32
      %dma_wait3A_164 = tpu.memref_slice %arg11[%dma_wait3A_162, %dma_wait3A_163] : memref<200x128xf32, #tpu.memory_space<vmem>> -> memref<128x128xf32, #tpu.memory_space<vmem>>
      %dma_wait3A_165 = arith.constant 0 : i32
      %dma_wait3A_166 = tpu.memref_slice %arg10[%dma_wait3A_165] : memref<200xi32, #tpu.memory_space<vmem>> -> memref<128xi32, #tpu.memory_space<vmem>>
      %dma_wait3A_167 = arith.constant 0 : i32
      %dma_wait3A_168 = arith.constant 0 : i32
      %dma_wait3A_169 = tpu.memref_slice %arg16[%dma_wait3A_167, %dma_wait3A_168] : memref<200x128xf32, #tpu.memory_space<vmem_shared>> -> memref<200x128xf32, #tpu.memory_space<vmem_shared>>
      tpu.wait_indirect_dma semaphore(%arg21 : memref<!tpu.dma_semaphore, #tpu.memory_space<semaphore_mem>>) src(%dma_wait3A_169 : memref<200x128xf32, #tpu.memory_space<vmem_shared>>) dst(%dma_wait3A_164 : memref<128x128xf32, #tpu.memory_space<vmem>>)
      %dma_wait3A_170 = arith.constant 128 : i32
      %dma_wait3A_171 = arith.constant 0 : i32
      %dma_wait3A_172 = tpu.memref_slice %arg11[%dma_wait3A_170, %dma_wait3A_171] : memref<200x128xf32, #tpu.memory_space<vmem>> -> memref<72x128xf32, #tpu.memory_space<vmem>>
      %dma_wait3A_173 = arith.constant 128 : i32
      %dma_wait3A_174 = tpu.memref_slice %arg10[%dma_wait3A_173] : memref<200xi32, #tpu.memory_space<vmem>> -> memref<72xi32, #tpu.memory_space<vmem>>
      %dma_wait3A_175 = arith.constant 0 : i32
      %dma_wait3A_176 = arith.constant 0 : i32
      %dma_wait3A_177 = tpu.memref_slice %arg16[%dma_wait3A_175, %dma_wait3A_176] : memref<200x128xf32, #tpu.memory_space<vmem_shared>> -> memref<200x128xf32, #tpu.memory_space<vmem_shared>>
      tpu.wait_indirect_dma semaphore(%arg21 : memref<!tpu.dma_semaphore, #tpu.memory_space<semaphore_mem>>) src(%dma_wait3A_177 : memref<200x128xf32, #tpu.memory_space<vmem_shared>>) dst(%dma_wait3A_172 : memref<72x128xf32, #tpu.memory_space<vmem>>)
      %mul3A_178 = arith.constant 200 : i32
      %mul3A_179 = arith.muli %add3A_102, %mul3A_178 : i32
      %add3A_180 = arith.addi %mul3A_4, %mul3A_179 : i32
      %dma_start3A_181 = arith.constant 0 : i32
      %dma_start3A_182 = tpu.memref_slice %arg7[%add3A_180, %dma_start3A_181] : memref<204800x128xf32, #tpu.memory_space<hbm>> -> memref<200x128xf32, #tpu.memory_space<hbm>>
      %dma_start3A_183 = arith.constant 0 : i32
      %dma_start3A_184 = tpu.memref_slice %arg7[%add3A_180, %dma_start3A_183] : memref<204800x128xf32, #tpu.memory_space<hbm>> -> memref<200x128xf32, #tpu.memory_space<hbm>>
      tpu.enqueue_dma source(%arg11 : memref<200x128xf32, #tpu.memory_space<vmem>>) target(%dma_start3A_184 : memref<200x128xf32, #tpu.memory_space<hbm>>) target_semaphore(%arg25 : memref<!tpu.dma_semaphore, #tpu.memory_space<semaphore_mem>>)
      %mul3A_185 = arith.constant 4 : i32
      %mul3A_186 = arith.muli %mul3A_185, %scan3A_98 : i32
      %add3A_187 = arith.constant 1 : i32
      %add3A_188 = arith.addi %mul3A_186, %add3A_187 : i32
      %dma_wait3A_189 = arith.constant 0 : i32
      %dma_wait3A_190 = arith.constant 0 : i32
      %dma_wait3A_191 = tpu.memref_slice %arg12[%dma_wait3A_189, %dma_wait3A_190] : memref<200x128xf32, #tpu.memory_space<vmem>> -> memref<128x128xf32, #tpu.memory_space<vmem>>
      %dma_wait3A_192 = arith.constant 0 : i32
      %dma_wait3A_193 = tpu.memref_slice %arg8[%add3A_188, %dma_wait3A_192] : memref<32x128xi32, #tpu.memory_space<vmem>> -> memref<1x128xi32, #tpu.memory_space<vmem>>
      %dma_wait3A_194 = tpu.memref_squeeze %dma_wait3A_193 : memref<1x128xi32, #tpu.memory_space<vmem>> -> memref<128xi32, #tpu.memory_space<vmem>>
      %dma_wait3A_195 = arith.constant 0 : i32
      %dma_wait3A_196 = arith.constant 0 : i32
      %dma_wait3A_197 = tpu.memref_slice %arg15[%dma_wait3A_195, %dma_wait3A_196] : memref<1000x128xf32, #tpu.memory_space<vmem_shared>> -> memref<1000x128xf32, #tpu.memory_space<vmem_shared>>
      tpu.wait_indirect_dma semaphore(%arg18 : memref<!tpu.dma_semaphore, #tpu.memory_space<semaphore_mem>>) src(%dma_wait3A_197 : memref<1000x128xf32, #tpu.memory_space<vmem_shared>>) dst(%dma_wait3A_191 : memref<128x128xf32, #tpu.memory_space<vmem>>)
      %dma_wait3A_198 = arith.constant 128 : i32
      %dma_wait3A_199 = arith.constant 0 : i32
      %dma_wait3A_200 = tpu.memref_slice %arg12[%dma_wait3A_198, %dma_wait3A_199] : memref<200x128xf32, #tpu.memory_space<vmem>> -> memref<72x128xf32, #tpu.memory_space<vmem>>
      %dma_wait3A_201 = arith.constant 0 : i32
      %dma_wait3A_202 = tpu.memref_slice %arg9[%add3A_188, %dma_wait3A_201] : memref<32x72xi32, #tpu.memory_space<vmem>> -> memref<1x72xi32, #tpu.memory_space<vmem>>
      %dma_wait3A_203 = tpu.memref_squeeze %dma_wait3A_202 : memref<1x72xi32, #tpu.memory_space<vmem>> -> memref<72xi32, #tpu.memory_space<vmem>>
      %dma_wait3A_204 = arith.constant 0 : i32
      %dma_wait3A_205 = arith.constant 0 : i32
      %dma_wait3A_206 = tpu.memref_slice %arg15[%dma_wait3A_204, %dma_wait3A_205] : memref<1000x128xf32, #tpu.memory_space<vmem_shared>> -> memref<1000x128xf32, #tpu.memory_space<vmem_shared>>
      tpu.wait_indirect_dma semaphore(%arg18 : memref<!tpu.dma_semaphore, #tpu.memory_space<semaphore_mem>>) src(%dma_wait3A_206 : memref<1000x128xf32, #tpu.memory_space<vmem_shared>>) dst(%dma_wait3A_200 : memref<72x128xf32, #tpu.memory_space<vmem>>)
      %dma_start3A_207 = arith.constant 0 : i32
      %dma_start3A_208 = arith.constant 0 : i32
      %dma_start3A_209 = tpu.memref_slice %arg12[%dma_start3A_207, %dma_start3A_208] : memref<200x128xf32, #tpu.memory_space<vmem>> -> memref<128x128xf32, #tpu.memory_space<vmem>>
      %dma_start3A_210 = arith.constant 0 : i32
      %dma_start3A_211 = tpu.memref_slice %arg10[%dma_start3A_210] : memref<200xi32, #tpu.memory_space<vmem>> -> memref<128xi32, #tpu.memory_space<vmem>>
      %dma_start3A_212 = arith.constant 0 : i32
      %dma_start3A_213 = arith.constant 0 : i32
      %dma_start3A_214 = tpu.memref_slice %arg16[%dma_start3A_212, %dma_start3A_213] : memref<200x128xf32, #tpu.memory_space<vmem_shared>> -> memref<200x128xf32, #tpu.memory_space<vmem_shared>>
      tpu.enqueue_indirect_dma source(%dma_start3A_214 : memref<200x128xf32, #tpu.memory_space<vmem_shared>>) target(%dma_start3A_209 : memref<128x128xf32, #tpu.memory_space<vmem>>) offsets(%dma_start3A_211 : memref<128xi32, #tpu.memory_space<vmem>>) semaphore(%arg22 : memref<!tpu.dma_semaphore, #tpu.memory_space<semaphore_mem>>) {add = true}
      %dma_start3A_215 = arith.constant 128 : i32
      %dma_start3A_216 = arith.constant 0 : i32
      %dma_start3A_217 = tpu.memref_slice %arg12[%dma_start3A_215, %dma_start3A_216] : memref<200x128xf32, #tpu.memory_space<vmem>> -> memref<72x128xf32, #tpu.memory_space<vmem>>
      %dma_start3A_218 = arith.constant 128 : i32
      %dma_start3A_219 = tpu.memref_slice %arg10[%dma_start3A_218] : memref<200xi32, #tpu.memory_space<vmem>> -> memref<72xi32, #tpu.memory_space<vmem>>
      %dma_start3A_220 = arith.constant 0 : i32
      %dma_start3A_221 = arith.constant 0 : i32
      %dma_start3A_222 = tpu.memref_slice %arg16[%dma_start3A_220, %dma_start3A_221] : memref<200x128xf32, #tpu.memory_space<vmem_shared>> -> memref<200x128xf32, #tpu.memory_space<vmem_shared>>
      tpu.enqueue_indirect_dma source(%dma_start3A_222 : memref<200x128xf32, #tpu.memory_space<vmem_shared>>) target(%dma_start3A_217 : memref<72x128xf32, #tpu.memory_space<vmem>>) offsets(%dma_start3A_219 : memref<72xi32, #tpu.memory_space<vmem>>) semaphore(%arg22 : memref<!tpu.dma_semaphore, #tpu.memory_space<semaphore_mem>>) {add = true}
      %lt3A_223 = arith.constant 7 : i32
      %lt3A_224 = arith.cmpi slt, %scan3A_98, %lt3A_223 : i32
      %convert_element_type3A_225 = arith.extui %lt3A_224 : i1 to i32
      %cond3A_226 = arith.constant 0 : i32
      %cond3A_227 = arith.cmpi ne, %convert_element_type3A_225, %cond3A_226 : i32
      scf.if %cond3A_227 {
        %sub3A_383 = arith.constant 1 : i32
        %sub3A_384 = arith.subi %add3A_188, %sub3A_383 : i32
        %mul3A_385 = arith.constant 200 : i32
        %mul3A_386 = arith.muli %sub3A_384, %mul3A_385 : i32
        %add3A_387 = arith.addi %mul3A_4, %mul3A_386 : i32
        %dma_wait3A_388 = arith.constant 0 : i32
        %dma_wait3A_389 = tpu.memref_slice %arg7[%add3A_387, %dma_wait3A_388] : memref<204800x128xf32, #tpu.memory_space<hbm>> -> memref<200x128xf32, #tpu.memory_space<hbm>>
        %dma_wait3A_390 = arith.constant 0 : i32
        %dma_wait3A_391 = tpu.memref_slice %arg7[%add3A_387, %dma_wait3A_390] : memref<204800x128xf32, #tpu.memory_space<hbm>> -> memref<200x128xf32, #tpu.memory_space<hbm>>
        tpu.wait_dma2 semaphore(%arg25 : memref<!tpu.dma_semaphore, #tpu.memory_space<semaphore_mem>>) src(%arg11 : memref<200x128xf32, #tpu.memory_space<vmem>>) dst(%dma_wait3A_391 : memref<200x128xf32, #tpu.memory_space<hbm>>)
        %add3A_392 = arith.constant 4 : i32
        %add3A_393 = arith.addi %add3A_188, %add3A_392 : i32
        %sub3A_394 = arith.constant 1 : i32
        %sub3A_395 = arith.subi %add3A_393, %sub3A_394 : i32
        %dma_start3A_396 = arith.constant 0 : i32
        %dma_start3A_397 = arith.constant 0 : i32
        %dma_start3A_398 = tpu.memref_slice %arg11[%dma_start3A_396, %dma_start3A_397] : memref<200x128xf32, #tpu.memory_space<vmem>> -> memref<128x128xf32, #tpu.memory_space<vmem>>
        %dma_start3A_399 = arith.constant 0 : i32
        %dma_start3A_400 = tpu.memref_slice %arg8[%sub3A_395, %dma_start3A_399] : memref<32x128xi32, #tpu.memory_space<vmem>> -> memref<1x128xi32, #tpu.memory_space<vmem>>
        %dma_start3A_401 = tpu.memref_squeeze %dma_start3A_400 : memref<1x128xi32, #tpu.memory_space<vmem>> -> memref<128xi32, #tpu.memory_space<vmem>>
        %dma_start3A_402 = arith.constant 0 : i32
        %dma_start3A_403 = arith.constant 0 : i32
        %dma_start3A_404 = tpu.memref_slice %arg15[%dma_start3A_402, %dma_start3A_403] : memref<1000x128xf32, #tpu.memory_space<vmem_shared>> -> memref<1000x128xf32, #tpu.memory_space<vmem_shared>>
        tpu.enqueue_indirect_dma source(%dma_start3A_404 : memref<1000x128xf32, #tpu.memory_space<vmem_shared>>) target(%dma_start3A_398 : memref<128x128xf32, #tpu.memory_space<vmem>>) offsets(%dma_start3A_401 : memref<128xi32, #tpu.memory_space<vmem>>) semaphore(%arg17 : memref<!tpu.dma_semaphore, #tpu.memory_space<semaphore_mem>>)
        %dma_start3A_405 = arith.constant 128 : i32
        %dma_start3A_406 = arith.constant 0 : i32
        %dma_start3A_407 = tpu.memref_slice %arg11[%dma_start3A_405, %dma_start3A_406] : memref<200x128xf32, #tpu.memory_space<vmem>> -> memref<72x128xf32, #tpu.memory_space<vmem>>
        %dma_start3A_408 = arith.constant 0 : i32
        %dma_start3A_409 = tpu.memref_slice %arg9[%sub3A_395, %dma_start3A_408] : memref<32x72xi32, #tpu.memory_space<vmem>> -> memref<1x72xi32, #tpu.memory_space<vmem>>
        %dma_start3A_410 = tpu.memref_squeeze %dma_start3A_409 : memref<1x72xi32, #tpu.memory_space<vmem>> -> memref<72xi32, #tpu.memory_space<vmem>>
        %dma_start3A_411 = arith.constant 0 : i32
        %dma_start3A_412 = arith.constant 0 : i32
        %dma_start3A_413 = tpu.memref_slice %arg15[%dma_start3A_411, %dma_start3A_412] : memref<1000x128xf32, #tpu.memory_space<vmem_shared>> -> memref<1000x128xf32, #tpu.memory_space<vmem_shared>>
        tpu.enqueue_indirect_dma source(%dma_start3A_413 : memref<1000x128xf32, #tpu.memory_space<vmem_shared>>) target(%dma_start3A_407 : memref<72x128xf32, #tpu.memory_space<vmem>>) offsets(%dma_start3A_410 : memref<72xi32, #tpu.memory_space<vmem>>) semaphore(%arg17 : memref<!tpu.dma_semaphore, #tpu.memory_space<semaphore_mem>>)
      } else {
      }
      %dma_wait3A_228 = arith.constant 0 : i32
      %dma_wait3A_229 = arith.constant 0 : i32
      %dma_wait3A_230 = tpu.memref_slice %arg12[%dma_wait3A_228, %dma_wait3A_229] : memref<200x128xf32, #tpu.memory_space<vmem>> -> memref<128x128xf32, #tpu.memory_space<vmem>>
      %dma_wait3A_231 = arith.constant 0 : i32
      %dma_wait3A_232 = tpu.memref_slice %arg10[%dma_wait3A_231] : memref<200xi32, #tpu.memory_space<vmem>> -> memref<128xi32, #tpu.memory_space<vmem>>
      %dma_wait3A_233 = arith.constant 0 : i32
      %dma_wait3A_234 = arith.constant 0 : i32
      %dma_wait3A_235 = tpu.memref_slice %arg16[%dma_wait3A_233, %dma_wait3A_234] : memref<200x128xf32, #tpu.memory_space<vmem_shared>> -> memref<200x128xf32, #tpu.memory_space<vmem_shared>>
      tpu.wait_indirect_dma semaphore(%arg22 : memref<!tpu.dma_semaphore, #tpu.memory_space<semaphore_mem>>) src(%dma_wait3A_235 : memref<200x128xf32, #tpu.memory_space<vmem_shared>>) dst(%dma_wait3A_230 : memref<128x128xf32, #tpu.memory_space<vmem>>)
      %dma_wait3A_236 = arith.constant 128 : i32
      %dma_wait3A_237 = arith.constant 0 : i32
      %dma_wait3A_238 = tpu.memref_slice %arg12[%dma_wait3A_236, %dma_wait3A_237] : memref<200x128xf32, #tpu.memory_space<vmem>> -> memref<72x128xf32, #tpu.memory_space<vmem>>
      %dma_wait3A_239 = arith.constant 128 : i32
      %dma_wait3A_240 = tpu.memref_slice %arg10[%dma_wait3A_239] : memref<200xi32, #tpu.memory_space<vmem>> -> memref<72xi32, #tpu.memory_space<vmem>>
      %dma_wait3A_241 = arith.constant 0 : i32
      %dma_wait3A_242 = arith.constant 0 : i32
      %dma_wait3A_243 = tpu.memref_slice %arg16[%dma_wait3A_241, %dma_wait3A_242] : memref<200x128xf32, #tpu.memory_space<vmem_shared>> -> memref<200x128xf32, #tpu.memory_space<vmem_shared>>
      tpu.wait_indirect_dma semaphore(%arg22 : memref<!tpu.dma_semaphore, #tpu.memory_space<semaphore_mem>>) src(%dma_wait3A_243 : memref<200x128xf32, #tpu.memory_space<vmem_shared>>) dst(%dma_wait3A_238 : memref<72x128xf32, #tpu.memory_space<vmem>>)
      %mul3A_244 = arith.constant 200 : i32
      %mul3A_245 = arith.muli %add3A_188, %mul3A_244 : i32
      %add3A_246 = arith.addi %mul3A_4, %mul3A_245 : i32
      %dma_start3A_247 = arith.constant 0 : i32
      %dma_start3A_248 = tpu.memref_slice %arg7[%add3A_246, %dma_start3A_247] : memref<204800x128xf32, #tpu.memory_space<hbm>> -> memref<200x128xf32, #tpu.memory_space<hbm>>
      %dma_start3A_249 = arith.constant 0 : i32
      %dma_start3A_250 = tpu.memref_slice %arg7[%add3A_246, %dma_start3A_249] : memref<204800x128xf32, #tpu.memory_space<hbm>> -> memref<200x128xf32, #tpu.memory_space<hbm>>
      tpu.enqueue_dma source(%arg12 : memref<200x128xf32, #tpu.memory_space<vmem>>) target(%dma_start3A_250 : memref<200x128xf32, #tpu.memory_space<hbm>>) target_semaphore(%arg26 : memref<!tpu.dma_semaphore, #tpu.memory_space<semaphore_mem>>)
      %mul3A_251 = arith.constant 4 : i32
      %mul3A_252 = arith.muli %mul3A_251, %scan3A_98 : i32
      %add3A_253 = arith.constant 2 : i32
      %add3A_254 = arith.addi %mul3A_252, %add3A_253 : i32
      %dma_wait3A_255 = arith.constant 0 : i32
      %dma_wait3A_256 = arith.constant 0 : i32
      %dma_wait3A_257 = tpu.memref_slice %arg13[%dma_wait3A_255, %dma_wait3A_256] : memref<200x128xf32, #tpu.memory_space<vmem>> -> memref<128x128xf32, #tpu.memory_space<vmem>>
      %dma_wait3A_258 = arith.constant 0 : i32
      %dma_wait3A_259 = tpu.memref_slice %arg8[%add3A_254, %dma_wait3A_258] : memref<32x128xi32, #tpu.memory_space<vmem>> -> memref<1x128xi32, #tpu.memory_space<vmem>>
      %dma_wait3A_260 = tpu.memref_squeeze %dma_wait3A_259 : memref<1x128xi32, #tpu.memory_space<vmem>> -> memref<128xi32, #tpu.memory_space<vmem>>
      %dma_wait3A_261 = arith.constant 0 : i32
      %dma_wait3A_262 = arith.constant 0 : i32
      %dma_wait3A_263 = tpu.memref_slice %arg15[%dma_wait3A_261, %dma_wait3A_262] : memref<1000x128xf32, #tpu.memory_space<vmem_shared>> -> memref<1000x128xf32, #tpu.memory_space<vmem_shared>>
      tpu.wait_indirect_dma semaphore(%arg19 : memref<!tpu.dma_semaphore, #tpu.memory_space<semaphore_mem>>) src(%dma_wait3A_263 : memref<1000x128xf32, #tpu.memory_space<vmem_shared>>) dst(%dma_wait3A_257 : memref<128x128xf32, #tpu.memory_space<vmem>>)
      %dma_wait3A_264 = arith.constant 128 : i32
      %dma_wait3A_265 = arith.constant 0 : i32
      %dma_wait3A_266 = tpu.memref_slice %arg13[%dma_wait3A_264, %dma_wait3A_265] : memref<200x128xf32, #tpu.memory_space<vmem>> -> memref<72x128xf32, #tpu.memory_space<vmem>>
      %dma_wait3A_267 = arith.constant 0 : i32
      %dma_wait3A_268 = tpu.memref_slice %arg9[%add3A_254, %dma_wait3A_267] : memref<32x72xi32, #tpu.memory_space<vmem>> -> memref<1x72xi32, #tpu.memory_space<vmem>>
      %dma_wait3A_269 = tpu.memref_squeeze %dma_wait3A_268 : memref<1x72xi32, #tpu.memory_space<vmem>> -> memref<72xi32, #tpu.memory_space<vmem>>
      %dma_wait3A_270 = arith.constant 0 : i32
      %dma_wait3A_271 = arith.constant 0 : i32
      %dma_wait3A_272 = tpu.memref_slice %arg15[%dma_wait3A_270, %dma_wait3A_271] : memref<1000x128xf32, #tpu.memory_space<vmem_shared>> -> memref<1000x128xf32, #tpu.memory_space<vmem_shared>>
      tpu.wait_indirect_dma semaphore(%arg19 : memref<!tpu.dma_semaphore, #tpu.memory_space<semaphore_mem>>) src(%dma_wait3A_272 : memref<1000x128xf32, #tpu.memory_space<vmem_shared>>) dst(%dma_wait3A_266 : memref<72x128xf32, #tpu.memory_space<vmem>>)
      %dma_start3A_273 = arith.constant 0 : i32
      %dma_start3A_274 = arith.constant 0 : i32
      %dma_start3A_275 = tpu.memref_slice %arg13[%dma_start3A_273, %dma_start3A_274] : memref<200x128xf32, #tpu.memory_space<vmem>> -> memref<128x128xf32, #tpu.memory_space<vmem>>
      %dma_start3A_276 = arith.constant 0 : i32
      %dma_start3A_277 = tpu.memref_slice %arg10[%dma_start3A_276] : memref<200xi32, #tpu.memory_space<vmem>> -> memref<128xi32, #tpu.memory_space<vmem>>
      %dma_start3A_278 = arith.constant 0 : i32
      %dma_start3A_279 = arith.constant 0 : i32
      %dma_start3A_280 = tpu.memref_slice %arg16[%dma_start3A_278, %dma_start3A_279] : memref<200x128xf32, #tpu.memory_space<vmem_shared>> -> memref<200x128xf32, #tpu.memory_space<vmem_shared>>
      tpu.enqueue_indirect_dma source(%dma_start3A_280 : memref<200x128xf32, #tpu.memory_space<vmem_shared>>) target(%dma_start3A_275 : memref<128x128xf32, #tpu.memory_space<vmem>>) offsets(%dma_start3A_277 : memref<128xi32, #tpu.memory_space<vmem>>) semaphore(%arg23 : memref<!tpu.dma_semaphore, #tpu.memory_space<semaphore_mem>>) {add = true}
      %dma_start3A_281 = arith.constant 128 : i32
      %dma_start3A_282 = arith.constant 0 : i32
      %dma_start3A_283 = tpu.memref_slice %arg13[%dma_start3A_281, %dma_start3A_282] : memref<200x128xf32, #tpu.memory_space<vmem>> -> memref<72x128xf32, #tpu.memory_space<vmem>>
      %dma_start3A_284 = arith.constant 128 : i32
      %dma_start3A_285 = tpu.memref_slice %arg10[%dma_start3A_284] : memref<200xi32, #tpu.memory_space<vmem>> -> memref<72xi32, #tpu.memory_space<vmem>>
      %dma_start3A_286 = arith.constant 0 : i32
      %dma_start3A_287 = arith.constant 0 : i32
      %dma_start3A_288 = tpu.memref_slice %arg16[%dma_start3A_286, %dma_start3A_287] : memref<200x128xf32, #tpu.memory_space<vmem_shared>> -> memref<200x128xf32, #tpu.memory_space<vmem_shared>>
      tpu.enqueue_indirect_dma source(%dma_start3A_288 : memref<200x128xf32, #tpu.memory_space<vmem_shared>>) target(%dma_start3A_283 : memref<72x128xf32, #tpu.memory_space<vmem>>) offsets(%dma_start3A_285 : memref<72xi32, #tpu.memory_space<vmem>>) semaphore(%arg23 : memref<!tpu.dma_semaphore, #tpu.memory_space<semaphore_mem>>) {add = true}
      %lt3A_289 = arith.constant 7 : i32
      %lt3A_290 = arith.cmpi slt, %scan3A_98, %lt3A_289 : i32
      %convert_element_type3A_291 = arith.extui %lt3A_290 : i1 to i32
      %cond3A_292 = arith.constant 0 : i32
      %cond3A_293 = arith.cmpi ne, %convert_element_type3A_291, %cond3A_292 : i32
      scf.if %cond3A_293 {
        %sub3A_383 = arith.constant 1 : i32
        %sub3A_384 = arith.subi %add3A_254, %sub3A_383 : i32
        %mul3A_385 = arith.constant 200 : i32
        %mul3A_386 = arith.muli %sub3A_384, %mul3A_385 : i32
        %add3A_387 = arith.addi %mul3A_4, %mul3A_386 : i32
        %dma_wait3A_388 = arith.constant 0 : i32
        %dma_wait3A_389 = tpu.memref_slice %arg7[%add3A_387, %dma_wait3A_388] : memref<204800x128xf32, #tpu.memory_space<hbm>> -> memref<200x128xf32, #tpu.memory_space<hbm>>
        %dma_wait3A_390 = arith.constant 0 : i32
        %dma_wait3A_391 = tpu.memref_slice %arg7[%add3A_387, %dma_wait3A_390] : memref<204800x128xf32, #tpu.memory_space<hbm>> -> memref<200x128xf32, #tpu.memory_space<hbm>>
        tpu.wait_dma2 semaphore(%arg26 : memref<!tpu.dma_semaphore, #tpu.memory_space<semaphore_mem>>) src(%arg12 : memref<200x128xf32, #tpu.memory_space<vmem>>) dst(%dma_wait3A_391 : memref<200x128xf32, #tpu.memory_space<hbm>>)
        %add3A_392 = arith.constant 4 : i32
        %add3A_393 = arith.addi %add3A_254, %add3A_392 : i32
        %sub3A_394 = arith.constant 1 : i32
        %sub3A_395 = arith.subi %add3A_393, %sub3A_394 : i32
        %dma_start3A_396 = arith.constant 0 : i32
        %dma_start3A_397 = arith.constant 0 : i32
        %dma_start3A_398 = tpu.memref_slice %arg12[%dma_start3A_396, %dma_start3A_397] : memref<200x128xf32, #tpu.memory_space<vmem>> -> memref<128x128xf32, #tpu.memory_space<vmem>>
        %dma_start3A_399 = arith.constant 0 : i32
        %dma_start3A_400 = tpu.memref_slice %arg8[%sub3A_395, %dma_start3A_399] : memref<32x128xi32, #tpu.memory_space<vmem>> -> memref<1x128xi32, #tpu.memory_space<vmem>>
        %dma_start3A_401 = tpu.memref_squeeze %dma_start3A_400 : memref<1x128xi32, #tpu.memory_space<vmem>> -> memref<128xi32, #tpu.memory_space<vmem>>
        %dma_start3A_402 = arith.constant 0 : i32
        %dma_start3A_403 = arith.constant 0 : i32
        %dma_start3A_404 = tpu.memref_slice %arg15[%dma_start3A_402, %dma_start3A_403] : memref<1000x128xf32, #tpu.memory_space<vmem_shared>> -> memref<1000x128xf32, #tpu.memory_space<vmem_shared>>
        tpu.enqueue_indirect_dma source(%dma_start3A_404 : memref<1000x128xf32, #tpu.memory_space<vmem_shared>>) target(%dma_start3A_398 : memref<128x128xf32, #tpu.memory_space<vmem>>) offsets(%dma_start3A_401 : memref<128xi32, #tpu.memory_space<vmem>>) semaphore(%arg18 : memref<!tpu.dma_semaphore, #tpu.memory_space<semaphore_mem>>)
        %dma_start3A_405 = arith.constant 128 : i32
        %dma_start3A_406 = arith.constant 0 : i32
        %dma_start3A_407 = tpu.memref_slice %arg12[%dma_start3A_405, %dma_start3A_406] : memref<200x128xf32, #tpu.memory_space<vmem>> -> memref<72x128xf32, #tpu.memory_space<vmem>>
        %dma_start3A_408 = arith.constant 0 : i32
        %dma_start3A_409 = tpu.memref_slice %arg9[%sub3A_395, %dma_start3A_408] : memref<32x72xi32, #tpu.memory_space<vmem>> -> memref<1x72xi32, #tpu.memory_space<vmem>>
        %dma_start3A_410 = tpu.memref_squeeze %dma_start3A_409 : memref<1x72xi32, #tpu.memory_space<vmem>> -> memref<72xi32, #tpu.memory_space<vmem>>
        %dma_start3A_411 = arith.constant 0 : i32
        %dma_start3A_412 = arith.constant 0 : i32
        %dma_start3A_413 = tpu.memref_slice %arg15[%dma_start3A_411, %dma_start3A_412] : memref<1000x128xf32, #tpu.memory_space<vmem_shared>> -> memref<1000x128xf32, #tpu.memory_space<vmem_shared>>
        tpu.enqueue_indirect_dma source(%dma_start3A_413 : memref<1000x128xf32, #tpu.memory_space<vmem_shared>>) target(%dma_start3A_407 : memref<72x128xf32, #tpu.memory_space<vmem>>) offsets(%dma_start3A_410 : memref<72xi32, #tpu.memory_space<vmem>>) semaphore(%arg18 : memref<!tpu.dma_semaphore, #tpu.memory_space<semaphore_mem>>)
      } else {
      }
      %dma_wait3A_294 = arith.constant 0 : i32
      %dma_wait3A_295 = arith.constant 0 : i32
      %dma_wait3A_296 = tpu.memref_slice %arg13[%dma_wait3A_294, %dma_wait3A_295] : memref<200x128xf32, #tpu.memory_space<vmem>> -> memref<128x128xf32, #tpu.memory_space<vmem>>
      %dma_wait3A_297 = arith.constant 0 : i32
      %dma_wait3A_298 = tpu.memref_slice %arg10[%dma_wait3A_297] : memref<200xi32, #tpu.memory_space<vmem>> -> memref<128xi32, #tpu.memory_space<vmem>>
      %dma_wait3A_299 = arith.constant 0 : i32
      %dma_wait3A_300 = arith.constant 0 : i32
      %dma_wait3A_301 = tpu.memref_slice %arg16[%dma_wait3A_299, %dma_wait3A_300] : memref<200x128xf32, #tpu.memory_space<vmem_shared>> -> memref<200x128xf32, #tpu.memory_space<vmem_shared>>
      tpu.wait_indirect_dma semaphore(%arg23 : memref<!tpu.dma_semaphore, #tpu.memory_space<semaphore_mem>>) src(%dma_wait3A_301 : memref<200x128xf32, #tpu.memory_space<vmem_shared>>) dst(%dma_wait3A_296 : memref<128x128xf32, #tpu.memory_space<vmem>>)
      %dma_wait3A_302 = arith.constant 128 : i32
      %dma_wait3A_303 = arith.constant 0 : i32
      %dma_wait3A_304 = tpu.memref_slice %arg13[%dma_wait3A_302, %dma_wait3A_303] : memref<200x128xf32, #tpu.memory_space<vmem>> -> memref<72x128xf32, #tpu.memory_space<vmem>>
      %dma_wait3A_305 = arith.constant 128 : i32
      %dma_wait3A_306 = tpu.memref_slice %arg10[%dma_wait3A_305] : memref<200xi32, #tpu.memory_space<vmem>> -> memref<72xi32, #tpu.memory_space<vmem>>
      %dma_wait3A_307 = arith.constant 0 : i32
      %dma_wait3A_308 = arith.constant 0 : i32
      %dma_wait3A_309 = tpu.memref_slice %arg16[%dma_wait3A_307, %dma_wait3A_308] : memref<200x128xf32, #tpu.memory_space<vmem_shared>> -> memref<200x128xf32, #tpu.memory_space<vmem_shared>>
      tpu.wait_indirect_dma semaphore(%arg23 : memref<!tpu.dma_semaphore, #tpu.memory_space<semaphore_mem>>) src(%dma_wait3A_309 : memref<200x128xf32, #tpu.memory_space<vmem_shared>>) dst(%dma_wait3A_304 : memref<72x128xf32, #tpu.memory_space<vmem>>)
      %mul3A_310 = arith.constant 200 : i32
      %mul3A_311 = arith.muli %add3A_254, %mul3A_310 : i32
      %add3A_312 = arith.addi %mul3A_4, %mul3A_311 : i32
      %dma_start3A_313 = arith.constant 0 : i32
      %dma_start3A_314 = tpu.memref_slice %arg7[%add3A_312, %dma_start3A_313] : memref<204800x128xf32, #tpu.memory_space<hbm>> -> memref<200x128xf32, #tpu.memory_space<hbm>>
      %dma_start3A_315 = arith.constant 0 : i32
      %dma_start3A_316 = tpu.memref_slice %arg7[%add3A_312, %dma_start3A_315] : memref<204800x128xf32, #tpu.memory_space<hbm>> -> memref<200x128xf32, #tpu.memory_space<hbm>>
      tpu.enqueue_dma source(%arg13 : memref<200x128xf32, #tpu.memory_space<vmem>>) target(%dma_start3A_316 : memref<200x128xf32, #tpu.memory_space<hbm>>) target_semaphore(%arg27 : memref<!tpu.dma_semaphore, #tpu.memory_space<semaphore_mem>>)
      %mul3A_317 = arith.constant 4 : i32
      %mul3A_318 = arith.muli %mul3A_317, %scan3A_98 : i32
      %add3A_319 = arith.constant 3 : i32
      %add3A_320 = arith.addi %mul3A_318, %add3A_319 : i32
      %dma_wait3A_321 = arith.constant 0 : i32
      %dma_wait3A_322 = arith.constant 0 : i32
      %dma_wait3A_323 = tpu.memref_slice %arg14[%dma_wait3A_321, %dma_wait3A_322] : memref<200x128xf32, #tpu.memory_space<vmem>> -> memref<128x128xf32, #tpu.memory_space<vmem>>
      %dma_wait3A_324 = arith.constant 0 : i32
      %dma_wait3A_325 = tpu.memref_slice %arg8[%add3A_320, %dma_wait3A_324] : memref<32x128xi32, #tpu.memory_space<vmem>> -> memref<1x128xi32, #tpu.memory_space<vmem>>
      %dma_wait3A_326 = tpu.memref_squeeze %dma_wait3A_325 : memref<1x128xi32, #tpu.memory_space<vmem>> -> memref<128xi32, #tpu.memory_space<vmem>>
      %dma_wait3A_327 = arith.constant 0 : i32
      %dma_wait3A_328 = arith.constant 0 : i32
      %dma_wait3A_329 = tpu.memref_slice %arg15[%dma_wait3A_327, %dma_wait3A_328] : memref<1000x128xf32, #tpu.memory_space<vmem_shared>> -> memref<1000x128xf32, #tpu.memory_space<vmem_shared>>
      tpu.wait_indirect_dma semaphore(%arg20 : memref<!tpu.dma_semaphore, #tpu.memory_space<semaphore_mem>>) src(%dma_wait3A_329 : memref<1000x128xf32, #tpu.memory_space<vmem_shared>>) dst(%dma_wait3A_323 : memref<128x128xf32, #tpu.memory_space<vmem>>)
      %dma_wait3A_330 = arith.constant 128 : i32
      %dma_wait3A_331 = arith.constant 0 : i32
      %dma_wait3A_332 = tpu.memref_slice %arg14[%dma_wait3A_330, %dma_wait3A_331] : memref<200x128xf32, #tpu.memory_space<vmem>> -> memref<72x128xf32, #tpu.memory_space<vmem>>
      %dma_wait3A_333 = arith.constant 0 : i32
      %dma_wait3A_334 = tpu.memref_slice %arg9[%add3A_320, %dma_wait3A_333] : memref<32x72xi32, #tpu.memory_space<vmem>> -> memref<1x72xi32, #tpu.memory_space<vmem>>
      %dma_wait3A_335 = tpu.memref_squeeze %dma_wait3A_334 : memref<1x72xi32, #tpu.memory_space<vmem>> -> memref<72xi32, #tpu.memory_space<vmem>>
      %dma_wait3A_336 = arith.constant 0 : i32
      %dma_wait3A_337 = arith.constant 0 : i32
      %dma_wait3A_338 = tpu.memref_slice %arg15[%dma_wait3A_336, %dma_wait3A_337] : memref<1000x128xf32, #tpu.memory_space<vmem_shared>> -> memref<1000x128xf32, #tpu.memory_space<vmem_shared>>
      tpu.wait_indirect_dma semaphore(%arg20 : memref<!tpu.dma_semaphore, #tpu.memory_space<semaphore_mem>>) src(%dma_wait3A_338 : memref<1000x128xf32, #tpu.memory_space<vmem_shared>>) dst(%dma_wait3A_332 : memref<72x128xf32, #tpu.memory_space<vmem>>)
      %dma_start3A_339 = arith.constant 0 : i32
      %dma_start3A_340 = arith.constant 0 : i32
      %dma_start3A_341 = tpu.memref_slice %arg14[%dma_start3A_339, %dma_start3A_340] : memref<200x128xf32, #tpu.memory_space<vmem>> -> memref<128x128xf32, #tpu.memory_space<vmem>>
      %dma_start3A_342 = arith.constant 0 : i32
      %dma_start3A_343 = tpu.memref_slice %arg10[%dma_start3A_342] : memref<200xi32, #tpu.memory_space<vmem>> -> memref<128xi32, #tpu.memory_space<vmem>>
      %dma_start3A_344 = arith.constant 0 : i32
      %dma_start3A_345 = arith.constant 0 : i32
      %dma_start3A_346 = tpu.memref_slice %arg16[%dma_start3A_344, %dma_start3A_345] : memref<200x128xf32, #tpu.memory_space<vmem_shared>> -> memref<200x128xf32, #tpu.memory_space<vmem_shared>>
      tpu.enqueue_indirect_dma source(%dma_start3A_346 : memref<200x128xf32, #tpu.memory_space<vmem_shared>>) target(%dma_start3A_341 : memref<128x128xf32, #tpu.memory_space<vmem>>) offsets(%dma_start3A_343 : memref<128xi32, #tpu.memory_space<vmem>>) semaphore(%arg24 : memref<!tpu.dma_semaphore, #tpu.memory_space<semaphore_mem>>) {add = true}
      %dma_start3A_347 = arith.constant 128 : i32
      %dma_start3A_348 = arith.constant 0 : i32
      %dma_start3A_349 = tpu.memref_slice %arg14[%dma_start3A_347, %dma_start3A_348] : memref<200x128xf32, #tpu.memory_space<vmem>> -> memref<72x128xf32, #tpu.memory_space<vmem>>
      %dma_start3A_350 = arith.constant 128 : i32
      %dma_start3A_351 = tpu.memref_slice %arg10[%dma_start3A_350] : memref<200xi32, #tpu.memory_space<vmem>> -> memref<72xi32, #tpu.memory_space<vmem>>
      %dma_start3A_352 = arith.constant 0 : i32
      %dma_start3A_353 = arith.constant 0 : i32
      %dma_start3A_354 = tpu.memref_slice %arg16[%dma_start3A_352, %dma_start3A_353] : memref<200x128xf32, #tpu.memory_space<vmem_shared>> -> memref<200x128xf32, #tpu.memory_space<vmem_shared>>
      tpu.enqueue_indirect_dma source(%dma_start3A_354 : memref<200x128xf32, #tpu.memory_space<vmem_shared>>) target(%dma_start3A_349 : memref<72x128xf32, #tpu.memory_space<vmem>>) offsets(%dma_start3A_351 : memref<72xi32, #tpu.memory_space<vmem>>) semaphore(%arg24 : memref<!tpu.dma_semaphore, #tpu.memory_space<semaphore_mem>>) {add = true}
      %lt3A_355 = arith.constant 7 : i32
      %lt3A_356 = arith.cmpi slt, %scan3A_98, %lt3A_355 : i32
      %convert_element_type3A_357 = arith.extui %lt3A_356 : i1 to i32
      %cond3A_358 = arith.constant 0 : i32
      %cond3A_359 = arith.cmpi ne, %convert_element_type3A_357, %cond3A_358 : i32
      scf.if %cond3A_359 {
        %sub3A_383 = arith.constant 1 : i32
        %sub3A_384 = arith.subi %add3A_320, %sub3A_383 : i32
        %mul3A_385 = arith.constant 200 : i32
        %mul3A_386 = arith.muli %sub3A_384, %mul3A_385 : i32
        %add3A_387 = arith.addi %mul3A_4, %mul3A_386 : i32
        %dma_wait3A_388 = arith.constant 0 : i32
        %dma_wait3A_389 = tpu.memref_slice %arg7[%add3A_387, %dma_wait3A_388] : memref<204800x128xf32, #tpu.memory_space<hbm>> -> memref<200x128xf32, #tpu.memory_space<hbm>>
        %dma_wait3A_390 = arith.constant 0 : i32
        %dma_wait3A_391 = tpu.memref_slice %arg7[%add3A_387, %dma_wait3A_390] : memref<204800x128xf32, #tpu.memory_space<hbm>> -> memref<200x128xf32, #tpu.memory_space<hbm>>
        tpu.wait_dma2 semaphore(%arg27 : memref<!tpu.dma_semaphore, #tpu.memory_space<semaphore_mem>>) src(%arg13 : memref<200x128xf32, #tpu.memory_space<vmem>>) dst(%dma_wait3A_391 : memref<200x128xf32, #tpu.memory_space<hbm>>)
        %add3A_392 = arith.constant 4 : i32
        %add3A_393 = arith.addi %add3A_320, %add3A_392 : i32
        %sub3A_394 = arith.constant 1 : i32
        %sub3A_395 = arith.subi %add3A_393, %sub3A_394 : i32
        %dma_start3A_396 = arith.constant 0 : i32
        %dma_start3A_397 = arith.constant 0 : i32
        %dma_start3A_398 = tpu.memref_slice %arg13[%dma_start3A_396, %dma_start3A_397] : memref<200x128xf32, #tpu.memory_space<vmem>> -> memref<128x128xf32, #tpu.memory_space<vmem>>
        %dma_start3A_399 = arith.constant 0 : i32
        %dma_start3A_400 = tpu.memref_slice %arg8[%sub3A_395, %dma_start3A_399] : memref<32x128xi32, #tpu.memory_space<vmem>> -> memref<1x128xi32, #tpu.memory_space<vmem>>
        %dma_start3A_401 = tpu.memref_squeeze %dma_start3A_400 : memref<1x128xi32, #tpu.memory_space<vmem>> -> memref<128xi32, #tpu.memory_space<vmem>>
        %dma_start3A_402 = arith.constant 0 : i32
        %dma_start3A_403 = arith.constant 0 : i32
        %dma_start3A_404 = tpu.memref_slice %arg15[%dma_start3A_402, %dma_start3A_403] : memref<1000x128xf32, #tpu.memory_space<vmem_shared>> -> memref<1000x128xf32, #tpu.memory_space<vmem_shared>>
        tpu.enqueue_indirect_dma source(%dma_start3A_404 : memref<1000x128xf32, #tpu.memory_space<vmem_shared>>) target(%dma_start3A_398 : memref<128x128xf32, #tpu.memory_space<vmem>>) offsets(%dma_start3A_401 : memref<128xi32, #tpu.memory_space<vmem>>) semaphore(%arg19 : memref<!tpu.dma_semaphore, #tpu.memory_space<semaphore_mem>>)
        %dma_start3A_405 = arith.constant 128 : i32
        %dma_start3A_406 = arith.constant 0 : i32
        %dma_start3A_407 = tpu.memref_slice %arg13[%dma_start3A_405, %dma_start3A_406] : memref<200x128xf32, #tpu.memory_space<vmem>> -> memref<72x128xf32, #tpu.memory_space<vmem>>
        %dma_start3A_408 = arith.constant 0 : i32
        %dma_start3A_409 = tpu.memref_slice %arg9[%sub3A_395, %dma_start3A_408] : memref<32x72xi32, #tpu.memory_space<vmem>> -> memref<1x72xi32, #tpu.memory_space<vmem>>
        %dma_start3A_410 = tpu.memref_squeeze %dma_start3A_409 : memref<1x72xi32, #tpu.memory_space<vmem>> -> memref<72xi32, #tpu.memory_space<vmem>>
        %dma_start3A_411 = arith.constant 0 : i32
        %dma_start3A_412 = arith.constant 0 : i32
        %dma_start3A_413 = tpu.memref_slice %arg15[%dma_start3A_411, %dma_start3A_412] : memref<1000x128xf32, #tpu.memory_space<vmem_shared>> -> memref<1000x128xf32, #tpu.memory_space<vmem_shared>>
        tpu.enqueue_indirect_dma source(%dma_start3A_413 : memref<1000x128xf32, #tpu.memory_space<vmem_shared>>) target(%dma_start3A_407 : memref<72x128xf32, #tpu.memory_space<vmem>>) offsets(%dma_start3A_410 : memref<72xi32, #tpu.memory_space<vmem>>) semaphore(%arg19 : memref<!tpu.dma_semaphore, #tpu.memory_space<semaphore_mem>>)
      } else {
      }
      %dma_wait3A_360 = arith.constant 0 : i32
      %dma_wait3A_361 = arith.constant 0 : i32
      %dma_wait3A_362 = tpu.memref_slice %arg14[%dma_wait3A_360, %dma_wait3A_361] : memref<200x128xf32, #tpu.memory_space<vmem>> -> memref<128x128xf32, #tpu.memory_space<vmem>>
      %dma_wait3A_363 = arith.constant 0 : i32
      %dma_wait3A_364 = tpu.memref_slice %arg10[%dma_wait3A_363] : memref<200xi32, #tpu.memory_space<vmem>> -> memref<128xi32, #tpu.memory_space<vmem>>
      %dma_wait3A_365 = arith.constant 0 : i32
      %dma_wait3A_366 = arith.constant 0 : i32
      %dma_wait3A_367 = tpu.memref_slice %arg16[%dma_wait3A_365, %dma_wait3A_366] : memref<200x128xf32, #tpu.memory_space<vmem_shared>> -> memref<200x128xf32, #tpu.memory_space<vmem_shared>>
      tpu.wait_indirect_dma semaphore(%arg24 : memref<!tpu.dma_semaphore, #tpu.memory_space<semaphore_mem>>) src(%dma_wait3A_367 : memref<200x128xf32, #tpu.memory_space<vmem_shared>>) dst(%dma_wait3A_362 : memref<128x128xf32, #tpu.memory_space<vmem>>)
      %dma_wait3A_368 = arith.constant 128 : i32
      %dma_wait3A_369 = arith.constant 0 : i32
      %dma_wait3A_370 = tpu.memref_slice %arg14[%dma_wait3A_368, %dma_wait3A_369] : memref<200x128xf32, #tpu.memory_space<vmem>> -> memref<72x128xf32, #tpu.memory_space<vmem>>
      %dma_wait3A_371 = arith.constant 128 : i32
      %dma_wait3A_372 = tpu.memref_slice %arg10[%dma_wait3A_371] : memref<200xi32, #tpu.memory_space<vmem>> -> memref<72xi32, #tpu.memory_space<vmem>>
      %dma_wait3A_373 = arith.constant 0 : i32
      %dma_wait3A_374 = arith.constant 0 : i32
      %dma_wait3A_375 = tpu.memref_slice %arg16[%dma_wait3A_373, %dma_wait3A_374] : memref<200x128xf32, #tpu.memory_space<vmem_shared>> -> memref<200x128xf32, #tpu.memory_space<vmem_shared>>
      tpu.wait_indirect_dma semaphore(%arg24 : memref<!tpu.dma_semaphore, #tpu.memory_space<semaphore_mem>>) src(%dma_wait3A_375 : memref<200x128xf32, #tpu.memory_space<vmem_shared>>) dst(%dma_wait3A_370 : memref<72x128xf32, #tpu.memory_space<vmem>>)
      %mul3A_376 = arith.constant 200 : i32
      %mul3A_377 = arith.muli %add3A_320, %mul3A_376 : i32
      %add3A_378 = arith.addi %mul3A_4, %mul3A_377 : i32
      %dma_start3A_379 = arith.constant 0 : i32
      %dma_start3A_380 = tpu.memref_slice %arg7[%add3A_378, %dma_start3A_379] : memref<204800x128xf32, #tpu.memory_space<hbm>> -> memref<200x128xf32, #tpu.memory_space<hbm>>
      %dma_start3A_381 = arith.constant 0 : i32
      %dma_start3A_382 = tpu.memref_slice %arg7[%add3A_378, %dma_start3A_381] : memref<204800x128xf32, #tpu.memory_space<hbm>> -> memref<200x128xf32, #tpu.memory_space<hbm>>
      tpu.enqueue_dma source(%arg14 : memref<200x128xf32, #tpu.memory_space<vmem>>) target(%dma_start3A_382 : memref<200x128xf32, #tpu.memory_space<hbm>>) target_semaphore(%arg28 : memref<!tpu.dma_semaphore, #tpu.memory_space<semaphore_mem>>)
    }
    %scan3A_74 = arith.constant 8 : i32
    %add3A_75 = arith.constant 5600 : i32
    %add3A_76 = arith.addi %mul3A_4, %add3A_75 : i32
    %dma_wait3A = arith.constant 0 : i32
    %dma_wait3A_77 = tpu.memref_slice %arg7[%add3A_76, %dma_wait3A] : memref<204800x128xf32, #tpu.memory_space<hbm>> -> memref<200x128xf32, #tpu.memory_space<hbm>>
    %dma_wait3A_78 = arith.constant 0 : i32
    %dma_wait3A_79 = tpu.memref_slice %arg7[%add3A_76, %dma_wait3A_78] : memref<204800x128xf32, #tpu.memory_space<hbm>> -> memref<200x128xf32, #tpu.memory_space<hbm>>
    tpu.wait_dma2 semaphore(%arg25 : memref<!tpu.dma_semaphore, #tpu.memory_space<semaphore_mem>>) src(%arg11 : memref<200x128xf32, #tpu.memory_space<vmem>>) dst(%dma_wait3A_79 : memref<200x128xf32, #tpu.memory_space<hbm>>)
    %add3A_80 = arith.constant 5800 : i32
    %add3A_81 = arith.addi %mul3A_4, %add3A_80 : i32
    %dma_wait3A_82 = arith.constant 0 : i32
    %dma_wait3A_83 = tpu.memref_slice %arg7[%add3A_81, %dma_wait3A_82] : memref<204800x128xf32, #tpu.memory_space<hbm>> -> memref<200x128xf32, #tpu.memory_space<hbm>>
    %dma_wait3A_84 = arith.constant 0 : i32
    %dma_wait3A_85 = tpu.memref_slice %arg7[%add3A_81, %dma_wait3A_84] : memref<204800x128xf32, #tpu.memory_space<hbm>> -> memref<200x128xf32, #tpu.memory_space<hbm>>
    tpu.wait_dma2 semaphore(%arg26 : memref<!tpu.dma_semaphore, #tpu.memory_space<semaphore_mem>>) src(%arg12 : memref<200x128xf32, #tpu.memory_space<vmem>>) dst(%dma_wait3A_85 : memref<200x128xf32, #tpu.memory_space<hbm>>)
    %add3A_86 = arith.constant 6000 : i32
    %add3A_87 = arith.addi %mul3A_4, %add3A_86 : i32
    %dma_wait3A_88 = arith.constant 0 : i32
    %dma_wait3A_89 = tpu.memref_slice %arg7[%add3A_87, %dma_wait3A_88] : memref<204800x128xf32, #tpu.memory_space<hbm>> -> memref<200x128xf32, #tpu.memory_space<hbm>>
    %dma_wait3A_90 = arith.constant 0 : i32
    %dma_wait3A_91 = tpu.memref_slice %arg7[%add3A_87, %dma_wait3A_90] : memref<204800x128xf32, #tpu.memory_space<hbm>> -> memref<200x128xf32, #tpu.memory_space<hbm>>
    tpu.wait_dma2 semaphore(%arg27 : memref<!tpu.dma_semaphore, #tpu.memory_space<semaphore_mem>>) src(%arg13 : memref<200x128xf32, #tpu.memory_space<vmem>>) dst(%dma_wait3A_91 : memref<200x128xf32, #tpu.memory_space<hbm>>)
    %add3A_92 = arith.constant 6200 : i32
    %add3A_93 = arith.addi %mul3A_4, %add3A_92 : i32
    %dma_wait3A_94 = arith.constant 0 : i32
    %dma_wait3A_95 = tpu.memref_slice %arg7[%add3A_93, %dma_wait3A_94] : memref<204800x128xf32, #tpu.memory_space<hbm>> -> memref<200x128xf32, #tpu.memory_space<hbm>>
    %dma_wait3A_96 = arith.constant 0 : i32
    %dma_wait3A_97 = tpu.memref_slice %arg7[%add3A_93, %dma_wait3A_96] : memref<204800x128xf32, #tpu.memory_space<hbm>> -> memref<200x128xf32, #tpu.memory_space<hbm>>
    tpu.wait_dma2 semaphore(%arg28 : memref<!tpu.dma_semaphore, #tpu.memory_space<semaphore_mem>>) src(%arg14 : memref<200x128xf32, #tpu.memory_space<vmem>>) dst(%dma_wait3A_97 : memref<200x128xf32, #tpu.memory_space<hbm>>)
    return
  }
}

</mosaic_0001>

<sc_bundles>
// kernel: kernel.3.cloned.1.call-start
scs
__scs_entry_jumppad:
0x0: {  	(pc) =	sbr.rel $0x88, $3  }
0x1: {  	(tag) =	ssettag $0x0;
	lr =	simm.s32 $0x1  }
0x2: {  	[smem:$0x3F9F] =	sst lr;
	_ =	strace $0xD0000000  }
0x3: {  	_ = 	snop  }
0x4: {  	_ = 	snop  }
0x5: {  	_ = 	snop  }
0x6: {  	_ = 	snop  }
0x7: {  	_ = 	snop  }
__scs_overlays_trampoline_lowered:
0x8: {  	[smem:$0x3FAE] =	sst s0  }
0x9: {  	[smem:$0x3FAF] =	sst s1  }
0xa: {  	[smem:$0x3FB0] =	sst s2  }
0xb: {  	[smem:$0x3FB1] =	sst s3  }
0xc: {  	[smem:$0x3FB2] =	sst s4  }
0xd: {  	[smem:$0x3FB3] =	sst s5  }
0xe: {  	[smem:$0x3FB4] =	sst s6  }
0xf: {  	[smem:$0x3FB5] =	sst s7  }
0x10: {  	[smem:$0x3FB6] =	sst s8  }
0x11: {  	[smem:$0x3FB7] =	sst s9;
	s0 =	simm.s32 @!p0 $0x0  }
0x12: {  	s1 =	sld [smem:$0x3F9D];
	s0 =	simm.s32 @p0 $0x1  }
0x13: {  	[smem:$0x3FB8] =	sst s0;
	s0 =	simm.s32 @!p1 $0x0  }
0x14: {  	s2 =	sld [smem:$0x3F9C];
	s0 =	simm.s32 @p1 $0x1  }
0x15: {  	[smem:$0x3FB9] =	sst s0;
	s0 =	simm.s32 @!p2 $0x0  }
0x16: {  	s3 =	sld [smem:$0x3FDB];
	s0 =	simm.s32 @p2 $0x1  }
0x17: {  	s4 =	simm.s32 $0x1BF5;
	[smem:$0x3FBB] =	sst s0  }
0x18: {  	s0 =	sld [smem:$0x3F9E];
	_ =	swait.ge [sflag:s4], $0x0  }
0x19: {  	s7 =	sld [smem:$0x3F9F]  }
0x1a: {  	s8 =	sadd.s32 $0xFFFFE003, lr  }
0x1b: {  	s9 =	sadd.s32 $0xFFFFFEF7, lr;
	s5 =	simm.s32 $0xFFFFFFFF;
	p2 =	slt.u32 s8, $0xFFFFF086  }
0x1c: {  	p1 =	slt.u32 s9, $0xF7A;
	s5 =	simm.s32 @!p2 $0x0  }
0x1d: {  	s5 =	simm.s32 @p1 $0x1;
	p0 =	seq.s32 s7, s2  }
0x1e: {  	s7 =	smul.u32 @!p0 $0xF7A, s2;
	p2 =	seq.s32 @!p0 s5, $0x0  }
0x1f: {  	s9 =	smul.u32 $0xF7A, s1;
	s8 =	simm.s32 @!p0 $0x1BF5;
	p2 =	por !p2, p0  }
0x20: {  	[sflag:s8] =	ssyncset.s32 @!p0 $0xFFFFF086;
	s6 =	sadd.s32 @!p0 s3, s7;
	s7 =	simm.s32 @!p0 $0x108  }
0x21: {  	s3 =	sadd.s32 s3, s9;
	s6 =	sadd.s32 @!p0 $0x88, s6;
	s7 =	simm.s32 @p2 $0x1082  }
0x22: {  	[simem:s7], [sflag:s8] =	dma.local @!p0 [hbm:s6], $0xF7A  }
0x23: {  	s9 =	sor.u32 $0xD0000000, s2;
	s6 =	simm.s32 $0x108;
	_ =	swait.ge @!p0 [sflag:s8], $0x0  }
0x24: {  	s3 =	sadd.s32 $0x88, s3;
	s6 =	simm.s32 @!p1 $0x1082;
	[sflag:s4] =	ssyncset.s32 $0xFFFFF086  }
0x25: {  	[simem:s6], [sflag:s4] =	dma.local [hbm:s3], $0xF7A  }
0x26: {  	[smem:$0x3F9F] =	sst s1;
	(tag) =	ssettag s2;
	_ =	strace s9  }
0x27: {  	s1 =	sld [smem:$0x3FAF]  }
0x28: {  	s2 =	sld [smem:$0x3FB0]  }
0x29: {  	s4 =	sld [smem:$0x3FB2]  }
0x2a: {  	p0 =	seq.s32 s5, $0x0;
	s5 =	sld [smem:$0x3FB3]  }
0x2b: {  	s6 =	sld [smem:$0x3FB4]  }
0x2c: {  	s7 =	sld [smem:$0x3FB5]  }
0x2d: {  	s3 =	simm.s32 $0x108;
	s8 =	sld [smem:$0x3FB6]  }
0x2e: {  	s3 =	simm.s32 @!p0 $0x1082;
	s9 =	sld [smem:$0x3FB7]  }
0x2f: {  	lr =	sadd.s32 s0, s3;
	s0 =	sld [smem:$0x3FAE]  }
0x30: {  	s3 =	sld [smem:$0x3FB1]  }
0x31: {  	[smem:$0x3FBA] =	sst s10  }
0x32: {  	s10 =	sld [smem:$0x3FB8];
	_ =	sdelay $0x3  }
0x33: {  	p0 =	seq.s32 s10, $0x1;
	s10 =	sld [smem:$0x3FBA];
	_ =	sdelay $0x3  }
0x34: {  	[smem:$0x3FBA] =	sst s10  }
0x35: {  	s10 =	sld [smem:$0x3FB9];
	_ =	sdelay $0x3  }
0x36: {  	p1 =	seq.s32 s10, $0x1;
	s10 =	sld [smem:$0x3FBA];
	_ =	sdelay $0x3  }
0x37: {  	[smem:$0x3FBA] =	sst s10  }
0x38: {  	s10 =	sld [smem:$0x3FBB]  }
0x39: {  	_ = 	snop;
	(pc) =	sbr.ind lr, $3  }
0x3a: {  	_ = 	snop  }
0x3b: {  	_ = 	snop  }
0x3c: {  	p2 =	seq.s32 s10, $0x1;
	s10 =	sld [smem:$0x3FBA]  }
0x3d: {  	_ =	shalt  }
0x3e: {  	_ =	shalt  }
0x3f: {  	_ =	shalt  }
0x40: {  	_ =	shalt  }
0x41: {  	_ =	shalt  }
0x42: {  	_ =	shalt  }
0x43: {  	_ =	shalt  }
0x44: {  	_ =	shalt  }
0x45: {  	_ =	shalt  }
0x46: {  	_ =	shalt  }
0x47: {  	_ =	shalt  }
0x48: {  	_ =	shalt  }
0x49: {  	_ =	shalt  }
0x4a: {  	_ =	shalt  }
0x4b: {  	_ =	shalt  }
0x4c: {  	_ =	shalt  }
0x4d: {  	_ =	shalt  }
0x4e: {  	_ =	shalt  }
0x4f: {  	_ =	shalt  }
0x50: {  	_ =	shalt  }
0x51: {  	_ =	shalt  }
0x52: {  	_ =	shalt  }
0x53: {  	_ =	shalt  }
0x54: {  	_ =	shalt  }
0x55: {  	_ =	shalt  }
0x56: {  	_ =	shalt  }
0x57: {  	_ =	shalt  }
0x58: {  	_ =	shalt  }
0x59: {  	_ =	shalt  }
0x5a: {  	_ =	shalt  }
0x5b: {  	_ =	shalt  }
0x5c: {  	_ =	shalt  }
0x5d: {  	_ =	shalt  }
0x5e: {  	_ =	shalt  }
0x5f: {  	_ =	shalt  }
0x60: {  	_ =	shalt  }
0x61: {  	_ =	shalt  }
0x62: {  	_ =	shalt  }
0x63: {  	_ =	shalt  }
0x64: {  	_ =	shalt  }
0x65: {  	_ =	shalt  }
0x66: {  	_ =	shalt  }
0x67: {  	_ =	shalt  }
0x68: {  	_ =	shalt  }
0x69: {  	_ =	shalt  }
0x6a: {  	_ =	shalt  }
0x6b: {  	_ =	shalt  }
0x6c: {  	_ =	shalt  }
0x6d: {  	_ =	shalt  }
0x6e: {  	_ =	shalt  }
0x6f: {  	_ =	shalt  }
0x70: {  	_ =	shalt  }
0x71: {  	_ =	shalt  }
0x72: {  	_ =	shalt  }
0x73: {  	_ =	shalt  }
0x74: {  	_ =	shalt  }
0x75: {  	_ =	shalt  }
0x76: {  	_ =	shalt  }
0x77: {  	_ =	shalt  }
0x78: {  	_ =	shalt  }
0x79: {  	_ =	shalt  }
0x7a: {  	_ =	shalt  }
0x7b: {  	_ =	shalt  }
0x7c: {  	_ =	shalt  }
0x7d: {  	_ =	shalt  }
0x7e: {  	_ =	shalt  }
0x7f: {  	_ =	shalt  }
0x80: {  	_ =	shalt  }
0x81: {  	_ =	shalt  }
0x82: {  	_ =	shalt  }
0x83: {  	_ =	shalt  }
0x84: {  	_ =	shalt  }
0x85: {  	_ =	shalt  }
0x86: {  	_ =	shalt  }
0x87: {  	_ =	shalt  }
.Lfunc_end0:
.L_simem_size_0:
called_computation_lowered:
.L_overlay_start_0:
0x88: {  	s2 =	sld [smem:$0x3FD9]  }
0x89: {  	s3 =	sld [smem:$0x3FFE];
	_ =	sdelay $0x1  }
0x8a: {  	s1 =	srdreg.scid  }
0x8b: {  	s0 =	sand.u32 $0x1, s1  }
0x8c: {  	s17 =	sshll.u32 s0, $0xA;
	s2 =	sadd.s32 s3, s2  }
0x8d: {  	s2 =	sadd.s32 s2, s17  }
0x8e: {  	[smem:$0x3FC6] =	sst s2  }
0x8f: {  	_ = 	snop  }
0x90: {  	s2 =	sld [smem:$0x3FD0];
	(tm) =	ssettm $0x1  }
0x91: {  	s18 =	sld [smem:$0x3FFB];
	_ =	sdelay $0x3  }
0x92: {  	_ =	strace s18  }
0x93: {  	s3 =	sld [smem:$0x3FFC];
	_ =	sdelay $0x3  }
0x94: {  	_ =	strace s3  }
0x95: {  	s3 =	sld [smem:$0x3FFD];
	_ =	sdelay $0x3  }
0x96: {  	_ =	strace s3  }
0x97: {  	_ =	strace $0x8FFFFFFF  }
0x98: {  	s19 =	sld [smem:$0x3FDB];
	_ =	sdelay $0x1  }
0x99: {  	s4 =	simm.s32 $_scs_section_size  }
0x9a: {  	s5 =	simm.s32 $_size__tile_overlayer_lowered;
	s6 =	simm.s32 $_tile_overlayer_lowered  }
0x9b: {  	s22 =	simm.s32 $0x1BFF;
	s21 =	sshll.u32 s6, $0x1;
	s3 =	sadd.s32 s4, s19  }
0x9c: {  	s7 =	simm.s32 $0x0;
	s20 =	sshll.u32 s5, $0x1;
	s5 =	sadd.s32 s21, s3  }
0x9d: {  	[timem:s7], [sflag:s22] =	dma.local [hbm:s5], s20  }
0x9e: {  	_ =	swait.ge [sflag:s22], s20  }
0x9f: {  	s4 =	ssub.s32 $0x0, s20;
	[sflag:s22] =	ssyncset.done $0x0  }
0xa0: {  	[sflag:s22] =	ssyncadd.s32 s4;
	_ =	sdelay $0x1  }
0xa1: {  	s23 =	simm.s32 $0x1B8B  }
0xa2: {  	_ =	swait.ge [sflag:s23], $0x1  }
0xa3: {  	[sflag:s23] =	ssyncset.done $0x0  }
0xa4: {  	s25 =	simm.s32 $0x1B8E;
	s24 =	sld [smem:$0x3FFE];
	[sflag:s23] =	ssyncadd.s32 $0xFFFFFFFF  }
0xa5: {  	s26 =	simm.s32 $execute0_lowered;
	[smem:$0x3FD2] =	sst s25  }
0xa6: {  	s5 =	sshll.u32 s26, $0x1;
	_ =	strace $0x80000046;
	[dreg:$0x1] =	wrdreg $0xFFFFFFFF  }
0xa7: {  	s28 =	simm.s32 $_size_execute0_lowered;
	s3 =	sadd.s32 s3, s5;
	[dreg:$0x0] =	wrdreg $0x0  }
0xa8: {  	s5 =	sshll.u32 s28, $0x1;
	[dreg:$0x2] =	wrdreg s3  }
0xa9: {  	[dreg:$0x3] =	wrdreg s5  }
0xaa: {  	[dreg:$0x4] =	wrdreg $0xC0  }
0xab: {  	_ =	task [dreg:s7], $0x5FFFF  }
0xac: {  	[dreg:$0x1] =	wrdreg $0xFFFFFFFF  }
0xad: {  	[dreg:$0x0] =	wrdreg $0x60  }
0xae: {  	[dreg:$0x2] =	wrdreg s24  }
0xaf: {  	[dreg:$0x3] =	wrdreg s2  }
0xb0: {  	[dreg:$0x4] =	wrdreg $0x1B1000  }
0xb1: {  	[dreg:$0x5] =	wrdreg $0x1D0400  }
0xb2: {  	[dreg:$0x6] =	wrdreg $0x9  }
0xb3: {  	_ =	task.clear_ibuf [dreg:s7], $0x7FFFF;
	_ =	strace $0x90000046  }
0xb4: {  	s29 =	simm.s32 $0x9;
	_ =	strace $0x80000048  }
0xb5: {  	_ =	swait.ge [sflag:s29], $0x1  }
0xb6: {  	[sflag:s29] =	ssyncadd.s32 $0xFFFFFFFF  }
0xb7: {  	_ =	strace $0x90000048  }
0xb8: {  	_ =	sfence  }
0xb9: {  	s30 =	sld [smem:$0x0];
	_ =	sdelay $0x2  }
0xba: {  	s31 =	sshll.u32 s1, $0xD;
	s1 =	sshrl.u32 s1, $0x2  }
0xbb: {  	s3 =	sand.u32 $0x4000, s31;
	s1 =	sadd.s32 s1, s30  }
0xbc: {  	s0 =	sor.u32 s3, s0;
	s1 =	sshll.u32 s1, $0x11  }
0xbd: {  	s0 =	sor.u32 s1, s0  }
0xbe: {  	s0 =	sadd.s32 $0x8F2B, s0  }
0xbf: {  	[sflag:s0] =	ssyncadd.remote.s32 $0x1  }
0xc0: {  	_ =	sfence.sel $0xFFFF  }
0xc1: {  	[dreg:$0x0] =	wrdreg $0xFFFFFFFF;
	(pc) =	sbr.abs _section_cstart, $3  }
0xc2: {  	[dreg:$0x1] =	wrdreg $0xFFFFFFFF  }
0xc3: {  	_ =	task.clear_ibuf [dreg:s7], $0x2FFFF;
	_ =	strace $0x9FFFFFFF  }
0xc4: {  	(tm) =	ssettm $0x7FFFFFFF  }
0xc5: {  	_ =	shalt  }
tec
execute0_lowered:
.L_overlay_start_1:
0x0: {  	(tag) =	ssettag $0x1  }
0x1: {  	s0 =	rddreg [dreg:$0x0]  }
0x2: {  	s1 =	rddreg [dreg:$0x1]  }
0x3: {  	s2 =	rddreg [dreg:$0x2]  }
0x4: {  	s3 =	rddreg [dreg:$0x3]  }
0x5: {  	s4 =	srdreg.scid;
	s10 =	stileid.u32  }
0x6: {  	s11 =	simm.s32 $0xD;
	s16 =	simm.s32 $0x2000;
	s14 =	simm.s32 $0x6100  }
0x7: {  	s28 =	simm.s32 $0x12900;
	s29 =	simm.s32 $0x1;
	s30 =	simm.s32 $0x2080  }
0x8: {  	s31 =	simm.s32 $0x14D00;
	s12 =	simm.s32 $0x4;
	s13 =	simm.s32 $0x8  }
0x9: {  	s5 =	sand.u32 $0x1, s4;
	s4 =	simm.s32 $0x0;
	s17 =	smul.u32 $0xC80, s10  }
0xa: {  	s6 =	sshll.u32 s10, $0xA;
	s8 =	sadd.s32 $0xC800, s0;
	s9 =	smul.u32 $0x19000, s10  }
0xb: {  	s21 =	smul.u32 $0x32000, s10;
	s24 =	sshll.u32 s10, $0x6;
	p0 =	sgt.u32 s10, $0x4  }
0xc: {  	p1 =	sne.s32 s10, $0x5;
	s7 =	sshll.u32 s5, $0x9;
	[smem:$0x7FF] =	sst s4  }
0xd: {  	s18 =	ssub.s32 $0x2, s5;
	s5 =	smul.u32 $0x19000, s5;
	s25 =	sor.u32 $0x1C0D, s24  }
0xe: {  	s24 =	simm.s32 $0x7;
	s6 =	sor.u32 s7, s6;
	_ =	strace $0x80000047  }
0xf: {  	[dreg:$0x5] =	wrdreg s8;
	s7 =	sadd.s32 s17, s0;
	s19 =	sshrl.u32 s18, $0x1  }
0x10: {  	s20 =	sshrl.u32 s9, $0x2;
	s1 =	sadd.s32 s21, s1;
	[dreg:$0xc] =	wrdreg s25  }
0x11: {  	s17 =	simm.s32 $0x80;
	s21 =	simm.s32 $0x8500;
	s25 =	simm.s32 $0xE900  }
0x12: {  	s9 =	simm.s32 $0x0;
	s6 =	sadd.s32 s6, s0;
	s0 =	sadd.s32 $0xC600, s0  }
0x13: {  	s8 =	sadd.s32 s20, s2;
	s7 =	sadd.s32 $0x8600, s7;
	s23 =	sadd.s32 s5, s1  }
0x14: {  	s20 =	simm.s32 $0xC500;
	s1 =	simm.s32 $0x5;
	[dreg:$0x6] =	wrdreg s0  }
0x15: {  	s5 =	simm.s32 $0x2;
	[dreg:$0x7] =	wrdreg s7;
	s22 =	sadd.s32 $0x4600, s6  }
0x16: {  	s0 =	ssub.s32 s18, s19;
	s6 =	sadd.s32 $0x600, s6;
	[dreg:$0x8] =	wrdreg s22  }
0x17: {  	s26 =	sshrl.u32 s8, $0x3;
	s18 =	simm.s32 $0x2100;
	[dreg:$0x9] =	wrdreg s6  }
0x18: {  	s19 =	simm.s32 $0x48;
	s0 =	smax.u32 s0, $0x1;
	[dreg:$0xd] =	wrdreg s26  }
0x19: {  	s7 =	simm.s32 $0x6;
	[dreg:$0xa] =	wrdreg s0;
	s0 =	sadd.s32 $0x1900, s23  }
0x1a: {  	s22 =	simm.s32 $0x3;
	[dreg:$0xb] =	wrdreg s0;
	s0 =	simm.s32 $0x18D00  }
.LBB2_1:
.Ltmp0:
0x1b: {  	(pc) =	sbr.rel @p0 .LBB2_3-.Ltmp0, $2  }
0x1c: {  	_ =	sdelay $0x2  }
0x1d: {  	[dreg:$0xe] =	wrdreg s9  }
.Ltmp1:
0x1e: {  	(pc) =	sbr.rel .LBB2_5-.Ltmp1, $4  }
0x1f: {  	s6 =	rddreg [dreg:$0x7]  }
0x20: {  	s8 =	rddreg [dreg:$0xc]  }
0x21: {  	s9 =	rddreg [dreg:$0xd]  }
0x22: {  	[spmem:s9], [sflag:s8] =	dma.local [hbm:s6], $0xC80  }
.LBB2_3:
.Ltmp2:
0x23: {  	(pc) =	sbr.rel @p1 .LBB2_6-.Ltmp2, $1  }
0x24: {  	_ =	sdelay $0x3  }
0x25: {  	s6 =	sshrl.u32 s3, $0x3;
	s8 =	rddreg [dreg:$0x5];
	s9 =	simm.s32 $0x1D4D  }
0x26: {  	[spmem:s6], [sflag:s9] =	dma.local [hbm:s8], $0xC80  }
.LBB2_5:
0x27: {  	_ =	swait.ge [sflag:s11], $0xC80  }
0x28: {  	[sflag:s11] =	ssyncset.done $0x0  }
0x29: {  	[sflag:s11] =	ssyncadd.s32 $0xFFFFF380  }
.LBB2_6:
0x2a: {  	s6 =	simm.s32 $0x0;
	s8 =	rddreg [dreg:$0x8]  }
0x2b: {  	[tilespmem:s6], [sflag:$0xD] =	stream.linear.gather [hbm4b:s8+s6], $0x1000, $0x38;
	[tilespmem:$0x1D680] =	vst v63  }
0x2c: {  	_ =	swait.ge [sflag:s11], $0x1000  }
0x2d: {  	[sflag:s11] =	ssyncset.done $0x0  }
0x2e: {  	s9 =	simm.s32 $0x1000;
	s23 =	rddreg [dreg:$0x9];
	[sflag:s11] =	ssyncadd.s32 $0xFFFFF000  }
0x2f: {  	[tilespmem:s9], [sflag:$0xD] =	stream.linear.gather [hbm4b:s23+s6], $0x1000, $0x38;
	[tilespmem:$0x1D680] =	vst v63  }
0x30: {  	_ =	swait.ge [sflag:s11], $0x1000  }
0x31: {  	[sflag:s11] =	ssyncset.done $0x0  }
0x32: {  	s26 =	rddreg [dreg:$0x6];
	[sflag:s11] =	ssyncadd.s32 $0xFFFFF000  }
0x33: {  	[tilespmem:s16], [sflag:$0xD] =	stream.linear.gather [hbm4b:s26+s6], $0x100, $0x38;
	[tilespmem:$0x1D680] =	vst v63  }
0x34: {  	_ =	swait.ge [sflag:s11], $0x100  }
0x35: {  	[sflag:s11] =	ssyncset.done $0x0  }
0x36: {  	[sflag:s11] =	ssyncadd.s32 $0xFFFFFF00  }
0x37: {  	[bflag:$0x0] =	sbarrier.arrive $0xFFFF  }
0x38: {  	[tilespmem:s18], [sflag:$0x1] =	stream.indirect.gather [spmem:s2], $0x80, s6, s17, $0xb8;
	[tilespmem:$0x1D680] =	vst v63  }
0x39: {  	_ = 	snop  }
0x3a: {  	[tilespmem:s14], [sflag:$0x1] =	stream.indirect.gather [spmem:s2], $0x80, s9, s19, $0xb8;
	[tilespmem:$0x1D680] =	vst v63  }
0x3b: {  	_ = 	snop  }
0x3c: {  	[tilespmem:s21], [sflag:$0x2] =	stream.indirect.gather [spmem:s2], $0x80, s17, s17, $0xb8;
	[tilespmem:$0x1D680] =	vst v63  }
0x3d: {  	s8 =	simm.s32 $0x1080  }
0x3e: {  	[tilespmem:s20], [sflag:$0x2] =	stream.indirect.gather [spmem:s2], $0x80, s8, s19, $0xb8;
	[tilespmem:$0x1D680] =	vst v63  }
0x3f: {  	s9 =	simm.s32 $0x100  }
0x40: {  	[tilespmem:s25], [sflag:$0x3] =	stream.indirect.gather [spmem:s2], $0x80, s9, s17, $0xb8;
	[tilespmem:$0x1D680] =	vst v63  }
0x41: {  	s10 =	simm.s32 $0x1100  }
0x42: {  	[tilespmem:s28], [sflag:$0x3] =	stream.indirect.gather [spmem:s2], $0x80, s10, s19, $0xb8;
	[tilespmem:$0x1D680] =	vst v63  }
0x43: {  	_ =	swait.ge [sflag:s29], $0x4000  }
0x44: {  	[sflag:s29] =	ssyncset.done $0x0  }
0x45: {  	[sflag:s29] =	ssyncadd.s32 $0xFFFFC000  }
0x46: {  	_ =	swait.ge [sflag:s29], $0x2400  }
0x47: {  	[sflag:s29] =	ssyncset.done $0x0  }
0x48: {  	p2 =	por $0x1, $0x1;
	[sflag:s29] =	ssyncadd.s32 $0xFFFFDC00  }
0x49: {  	[tilespmem:s18], [sflag:$0x5] =	stream.indirect.gather.add.f32 [spmem:s3], $0x80, s16, s17, $0xb8;
	[tilespmem:$0x1D680] =	vst v63  }
0x4a: {  	s6 =	simm.s32 @!p2 $0xC  }
0x4b: {  	[tilespmem:s14], [sflag:$0x5] =	stream.indirect.gather.add.f32 [spmem:s3], $0x80, s30, s19, $0xb8;
	[tilespmem:$0x1D680] =	vst v63  }
0x4c: {  	_ =	swait.ge @!p2 [sflag:s6], $0x6400  }
0x4d: {  	[sflag:s6] =	ssyncset.done @!p2 $0x0  }
0x4e: {  	s11 =	simm.s32 $0x180;
	[sflag:s6] =	ssyncadd.s32 @!p2 $0xFFFF9C00  }
0x4f: {  	[tilespmem:s31], [sflag:$0x4] =	stream.indirect.gather [spmem:s2], $0x80, s11, s17, $0xb8;
	[tilespmem:$0x1D680] =	vst v63  }
0x50: {  	s15 =	simm.s32 $0x1180  }
0x51: {  	[tilespmem:s0], [sflag:$0x4] =	stream.indirect.gather [spmem:s2], $0x80, s15, s19, $0xb8;
	[tilespmem:$0x1D680] =	vst v63  }
0x52: {  	_ =	swait.ge [sflag:s1], $0x4000  }
0x53: {  	[sflag:s1] =	ssyncset.done $0x0  }
0x54: {  	[sflag:s1] =	ssyncadd.s32 $0xFFFFC000  }
0x55: {  	_ =	swait.ge [sflag:s1], $0x2400  }
0x56: {  	[sflag:s1] =	ssyncset.done $0x0;
	s10 =	rddreg [dreg:$0xb]  }
0x57: {  	s23 =	sadd.s32 $0xFFFFE700, s10;
	[sflag:s1] =	ssyncadd.s32 $0xFFFFDC00  }
0x58: {  	[hbm4b:s23+s4] =	stream.linear.scatter [tilespmem:s18], [sflag:$0x9], $0x6400, $0x38;
	[tilespmem:$0x1D680] =	vst v63  }
0x59: {  	_ =	swait.ge [sflag:s5], $0x4000  }
0x5a: {  	[sflag:s5] =	ssyncset.done $0x0  }
0x5b: {  	[sflag:s5] =	ssyncadd.s32 $0xFFFFC000  }
0x5c: {  	_ =	swait.ge [sflag:s5], $0x2400  }
0x5d: {  	[sflag:s5] =	ssyncset.done $0x0  }
0x5e: {  	p2 =	por $0x0, $0x0;
	[sflag:s5] =	ssyncadd.s32 $0xFFFFDC00  }
0x5f: {  	[tilespmem:s21], [sflag:$0x6] =	stream.indirect.gather.add.f32 [spmem:s3], $0x80, s16, s17, $0xb8;
	[tilespmem:$0x1D680] =	vst v63  }
0x60: {  	s6 =	simm.s32 @!p2 $0x9  }
0x61: {  	[tilespmem:s20], [sflag:$0x6] =	stream.indirect.gather.add.f32 [spmem:s3], $0x80, s30, s19, $0xb8;
	[tilespmem:$0x1D680] =	vst v63  }
0x62: {  	_ =	swait.ge @!p2 [sflag:s6], $0x6400  }
0x63: {  	s8 =	simm.s32 @!p2 $0x200;
	[sflag:s6] =	ssyncset.done @!p2 $0x0  }
0x64: {  	s9 =	simm.s32 @!p2 $0x80;
	s11 =	simm.s32 @!p2 $0x2100;
	[sflag:s6] =	ssyncadd.s32 @!p2 $0xFFFF9C00  }
0x65: {  	[tilespmem:s11], [sflag:$0x1] =	stream.indirect.gather @!p2 [spmem:s2], $0x80, s8, s9, $0xb8;
	[tilespmem:$0x1D680] =	vst v63  }
0x66: {  	s6 =	simm.s32 @!p2 $0x1200;
	s8 =	simm.s32 @!p2 $0x48;
	s11 =	simm.s32 @!p2 $0x6100  }
0x67: {  	[tilespmem:s11], [sflag:$0x1] =	stream.indirect.gather @!p2 [spmem:s2], $0x80, s6, s8, $0xb8;
	[tilespmem:$0x1D680] =	vst v63  }
0x68: {  	_ =	swait.ge [sflag:s7], $0x4000  }
0x69: {  	[sflag:s7] =	ssyncset.done $0x0  }
0x6a: {  	[sflag:s7] =	ssyncadd.s32 $0xFFFFC000  }
0x6b: {  	_ =	swait.ge [sflag:s7], $0x2400  }
0x6c: {  	[sflag:s7] =	ssyncset.done $0x0  }
0x6d: {  	s26 =	sadd.s32 $0xFFFFF380, s10;
	[sflag:s7] =	ssyncadd.s32 $0xFFFFDC00  }
0x6e: {  	[hbm4b:s26+s4] =	stream.linear.scatter [tilespmem:s21], [sflag:$0xA], $0x6400, $0x38;
	[tilespmem:$0x1D680] =	vst v63  }
0x6f: {  	_ =	swait.ge [sflag:s22], $0x4000  }
0x70: {  	[sflag:s22] =	ssyncset.done $0x0  }
0x71: {  	[sflag:s22] =	ssyncadd.s32 $0xFFFFC000  }
0x72: {  	_ =	swait.ge [sflag:s22], $0x2400  }
0x73: {  	[sflag:s22] =	ssyncset.done $0x0  }
0x74: {  	[sflag:s22] =	ssyncadd.s32 $0xFFFFDC00  }
0x75: {  	[tilespmem:s25], [sflag:$0x7] =	stream.indirect.gather.add.f32 [spmem:s3], $0x80, s16, s17, $0xb8;
	[tilespmem:$0x1D680] =	vst v63  }
0x76: {  	s6 =	simm.s32 @!p2 $0xA  }
0x77: {  	[tilespmem:s28], [sflag:$0x7] =	stream.indirect.gather.add.f32 [spmem:s3], $0x80, s30, s19, $0xb8;
	[tilespmem:$0x1D680] =	vst v63  }
0x78: {  	_ =	swait.ge @!p2 [sflag:s6], $0x6400  }
0x79: {  	[sflag:s6] =	ssyncset.done @!p2 $0x0  }
0x7a: {  	s11 =	simm.s32 @!p2 $0x280;
	[sflag:s6] =	ssyncadd.s32 @!p2 $0xFFFF9C00;
	s6 =	simm.s32 @!p2 $0x8500  }
0x7b: {  	[tilespmem:s6], [sflag:$0x2] =	stream.indirect.gather @!p2 [spmem:s2], $0x80, s11, s9, $0xb8;
	[tilespmem:$0x1D680] =	vst v63  }
0x7c: {  	s6 =	simm.s32 @!p2 $0x1280;
	s11 =	simm.s32 @!p2 $0xC500  }
0x7d: {  	[tilespmem:s11], [sflag:$0x2] =	stream.indirect.gather @!p2 [spmem:s2], $0x80, s6, s8, $0xb8;
	[tilespmem:$0x1D680] =	vst v63  }
0x7e: {  	_ =	swait.ge [sflag:s24], $0x4000  }
0x7f: {  	[sflag:s24] =	ssyncset.done $0x0  }
0x80: {  	[sflag:s24] =	ssyncadd.s32 $0xFFFFC000  }
0x81: {  	_ =	swait.ge [sflag:s24], $0x2400  }
0x82: {  	[sflag:s24] =	ssyncset.done $0x0  }
0x83: {  	[sflag:s24] =	ssyncadd.s32 $0xFFFFDC00  }
0x84: {  	[hbm4b:s10+s4] =	stream.linear.scatter [tilespmem:s25], [sflag:$0xB], $0x6400, $0x38;
	[tilespmem:$0x1D680] =	vst v63  }
0x85: {  	_ =	swait.ge [sflag:s12], $0x4000  }
0x86: {  	[sflag:s12] =	ssyncset.done $0x0  }
0x87: {  	[sflag:s12] =	ssyncadd.s32 $0xFFFFC000  }
0x88: {  	_ =	swait.ge [sflag:s12], $0x2400  }
0x89: {  	[sflag:s12] =	ssyncset.done $0x0  }
0x8a: {  	[sflag:s12] =	ssyncadd.s32 $0xFFFFDC00  }
0x8b: {  	[tilespmem:s31], [sflag:$0x8] =	stream.indirect.gather.add.f32 [spmem:s3], $0x80, s16, s17, $0xb8;
	[tilespmem:$0x1D680] =	vst v63  }
0x8c: {  	s6 =	simm.s32 @!p2 $0xB  }
0x8d: {  	[tilespmem:s0], [sflag:$0x8] =	stream.indirect.gather.add.f32 [spmem:s3], $0x80, s30, s19, $0xb8;
	[tilespmem:$0x1D680] =	vst v63  }
0x8e: {  	_ =	swait.ge @!p2 [sflag:s6], $0x6400  }
0x8f: {  	[sflag:s6] =	ssyncset.done @!p2 $0x0  }
0x90: {  	s11 =	simm.s32 @!p2 $0x300;
	[sflag:s6] =	ssyncadd.s32 @!p2 $0xFFFF9C00;
	s6 =	simm.s32 @!p2 $0xE900  }
0x91: {  	[tilespmem:s6], [sflag:$0x3] =	stream.indirect.gather @!p2 [spmem:s2], $0x80, s11, s9, $0xb8;
	[tilespmem:$0x1D680] =	vst v63  }
0x92: {  	s6 =	simm.s32 @!p2 $0x1300;
	s9 =	simm.s32 @!p2 $0x12900  }
0x93: {  	[tilespmem:s9], [sflag:$0x3] =	stream.indirect.gather @!p2 [spmem:s2], $0x80, s6, s8, $0xb8;
	[tilespmem:$0x1D680] =	vst v63  }
0x94: {  	_ =	swait.ge [sflag:s13], $0x4000  }
0x95: {  	[sflag:s13] =	ssyncset.done $0x0  }
0x96: {  	[sflag:s13] =	ssyncadd.s32 $0xFFFFC000  }
0x97: {  	s15 =	simm.s32 $0x800;
	_ =	swait.ge [sflag:s13], $0x2400  }
0x98: {  	s11 =	smov.u32 s10;
	s8 =	sadd.s32 $0xC80, s10;
	[sflag:s13] =	ssyncset.done $0x0  }
.LBB2_7:
0x99: {  	[sflag:s13] =	ssyncadd.s32 $0xFFFFDC00  }
0x9a: {  	s11 =	sadd.s32 $0x3200, s11;
	s6 =	smov.u32 s15;
	s15 =	sadd.s32 $0x800, s15  }
0x9b: {  	[hbm4b:s8+s4] =	stream.linear.scatter [tilespmem:s31], [sflag:$0xC], $0x6400, $0x38;
	[tilespmem:$0x1D680] =	vst v63  }
0x9c: {  	p2 =	sne.s32 s15, $0x4000;
	_ =	swait.ge [sflag:s29], $0x4000  }
0x9d: {  	[sflag:s29] =	ssyncset.done $0x0  }
0x9e: {  	[sflag:s29] =	ssyncadd.s32 $0xFFFFC000  }
0x9f: {  	_ =	swait.ge [sflag:s29], $0x2400  }
0xa0: {  	[sflag:s29] =	ssyncset.done $0x0  }
0xa1: {  	[sflag:s29] =	ssyncadd.s32 $0xFFFFDC00  }
0xa2: {  	[tilespmem:s18], [sflag:$0x5] =	stream.indirect.gather.add.f32 [spmem:s3], $0x80, s16, s17, $0xb8;
	[tilespmem:$0x1D680] =	vst v63  }
0xa3: {  	p3 =	seq.s32 s6, $0x0  }
0xa4: {  	[tilespmem:s14], [sflag:$0x5] =	stream.indirect.gather.add.f32 [spmem:s3], $0x80, s30, s19, $0xb8;
	[tilespmem:$0x1D680] =	vst v63  }
0xa5: {  	s8 =	simm.s32 @!p3 $0xC  }
0xa6: {  	s9 =	sshra.s32 s6, $0x2;
	_ =	swait.ge @!p3 [sflag:s8], $0x6400  }
0xa7: {  	s26 =	sadd.s32 $0x180, s9;
	[sflag:s8] =	ssyncset.done @!p3 $0x0  }
0xa8: {  	[sflag:s8] =	ssyncadd.s32 @!p3 $0xFFFF9C00;
	s8 =	sadd.s32 $0x1180, s9  }
0xa9: {  	[tilespmem:s31], [sflag:$0x4] =	stream.indirect.gather [spmem:s2], $0x80, s26, s17, $0xb8;
	[tilespmem:$0x1D680] =	vst v63  }
0xaa: {  	_ = 	snop  }
0xab: {  	[tilespmem:s0], [sflag:$0x4] =	stream.indirect.gather [spmem:s2], $0x80, s8, s19, $0xb8;
	[tilespmem:$0x1D680] =	vst v63  }
0xac: {  	_ =	swait.ge [sflag:s1], $0x4000  }
0xad: {  	[sflag:s1] =	ssyncset.done $0x0  }
0xae: {  	[sflag:s1] =	ssyncadd.s32 $0xFFFFC000  }
0xaf: {  	_ =	swait.ge [sflag:s1], $0x2400  }
0xb0: {  	s8 =	sadd.s32 $0xFFFFE700, s11;
	[sflag:s1] =	ssyncset.done $0x0  }
0xb1: {  	[sflag:s1] =	ssyncadd.s32 $0xFFFFDC00  }
0xb2: {  	[hbm4b:s8+s4] =	stream.linear.scatter [tilespmem:s18], [sflag:$0x9], $0x6400, $0x38;
	[tilespmem:$0x1D680] =	vst v63  }
0xb3: {  	_ =	swait.ge [sflag:s5], $0x4000  }
0xb4: {  	[sflag:s5] =	ssyncset.done $0x0  }
0xb5: {  	[sflag:s5] =	ssyncadd.s32 $0xFFFFC000  }
0xb6: {  	_ =	swait.ge [sflag:s5], $0x2400  }
0xb7: {  	[sflag:s5] =	ssyncset.done $0x0  }
0xb8: {  	p3 =	seq.s32 s6, $0x3800;
	[sflag:s5] =	ssyncadd.s32 $0xFFFFDC00  }
0xb9: {  	[tilespmem:s21], [sflag:$0x6] =	stream.indirect.gather.add.f32 [spmem:s3], $0x80, s16, s17, $0xb8;
	[tilespmem:$0x1D680] =	vst v63  }
0xba: {  	s26 =	sshra.s32 @!p3 s6, $0x2;
	s8 =	simm.s32 @!p3 $0x9  }
0xbb: {  	[tilespmem:s20], [sflag:$0x6] =	stream.indirect.gather.add.f32 [spmem:s3], $0x80, s30, s19, $0xb8;
	[tilespmem:$0x1D680] =	vst v63  }
0xbc: {  	s9 =	sadd.s32 @!p3 $0x200, s26;
	s14 =	sadd.s32 @!p3 $0x1200, s26;
	_ =	swait.ge @!p3 [sflag:s8], $0x6400  }
0xbd: {  	s6 =	simm.s32 @!p3 $0x80;
	s10 =	simm.s32 @!p3 $0x2100;
	[sflag:s8] =	ssyncset.done @!p3 $0x0  }
0xbe: {  	s20 =	simm.s32 @!p3 $0x6100;
	[sflag:s8] =	ssyncadd.s32 @!p3 $0xFFFF9C00;
	s8 =	simm.s32 @!p3 $0x48  }
0xbf: {  	[tilespmem:s10], [sflag:$0x1] =	stream.indirect.gather @!p3 [spmem:s2], $0x80, s9, s6, $0xb8;
	[tilespmem:$0x1D680] =	vst v63  }
0xc0: {  	s23 =	sadd.s32 @!p3 $0x1280, s26;
	s10 =	sadd.s32 @!p3 $0x280, s26;
	s9 =	sadd.s32 @!p3 $0x300, s26  }
0xc1: {  	[tilespmem:s20], [sflag:$0x1] =	stream.indirect.gather @!p3 [spmem:s2], $0x80, s14, s8, $0xb8;
	[tilespmem:$0x1D680] =	vst v63  }
0xc2: {  	s26 =	sadd.s32 @!p3 $0x1300, s26;
	_ =	swait.ge [sflag:s7], $0x4000  }
0xc3: {  	[sflag:s7] =	ssyncset.done $0x0  }
0xc4: {  	[sflag:s7] =	ssyncadd.s32 $0xFFFFC000  }
0xc5: {  	_ =	swait.ge [sflag:s7], $0x2400  }
0xc6: {  	s14 =	sadd.s32 $0xFFFFF380, s11;
	[sflag:s7] =	ssyncset.done $0x0  }
0xc7: {  	[sflag:s7] =	ssyncadd.s32 $0xFFFFDC00  }
0xc8: {  	[hbm4b:s14+s4] =	stream.linear.scatter [tilespmem:s21], [sflag:$0xA], $0x6400, $0x38;
	[tilespmem:$0x1D680] =	vst v63  }
0xc9: {  	_ =	swait.ge [sflag:s22], $0x4000  }
0xca: {  	[sflag:s22] =	ssyncset.done $0x0  }
0xcb: {  	[sflag:s22] =	ssyncadd.s32 $0xFFFFC000  }
0xcc: {  	_ =	swait.ge [sflag:s22], $0x2400  }
0xcd: {  	[sflag:s22] =	ssyncset.done $0x0  }
0xce: {  	[sflag:s22] =	ssyncadd.s32 $0xFFFFDC00  }
0xcf: {  	[tilespmem:s25], [sflag:$0x7] =	stream.indirect.gather.add.f32 [spmem:s3], $0x80, s16, s17, $0xb8;
	[tilespmem:$0x1D680] =	vst v63  }
0xd0: {  	s14 =	simm.s32 @!p3 $0xA  }
0xd1: {  	[tilespmem:s28], [sflag:$0x7] =	stream.indirect.gather.add.f32 [spmem:s3], $0x80, s30, s19, $0xb8;
	[tilespmem:$0x1D680] =	vst v63  }
0xd2: {  	_ =	swait.ge @!p3 [sflag:s14], $0x6400  }
0xd3: {  	s20 =	simm.s32 @!p3 $0x8500;
	[sflag:s14] =	ssyncset.done @!p3 $0x0  }
0xd4: {  	[sflag:s14] =	ssyncadd.s32 @!p3 $0xFFFF9C00;
	s14 =	simm.s32 @!p3 $0xC500  }
0xd5: {  	[tilespmem:s20], [sflag:$0x2] =	stream.indirect.gather @!p3 [spmem:s2], $0x80, s10, s6, $0xb8;
	[tilespmem:$0x1D680] =	vst v63  }
0xd6: {  	s20 =	simm.s32 $0xC500;
	_ =	sdelay $0x1  }
0xd7: {  	[tilespmem:s14], [sflag:$0x2] =	stream.indirect.gather @!p3 [spmem:s2], $0x80, s23, s8, $0xb8;
	[tilespmem:$0x1D680] =	vst v63  }
0xd8: {  	_ =	swait.ge [sflag:s24], $0x4000  }
0xd9: {  	[sflag:s24] =	ssyncset.done $0x0  }
0xda: {  	[sflag:s24] =	ssyncadd.s32 $0xFFFFC000  }
0xdb: {  	_ =	swait.ge [sflag:s24], $0x2400  }
0xdc: {  	[sflag:s24] =	ssyncset.done $0x0  }
0xdd: {  	[sflag:s24] =	ssyncadd.s32 $0xFFFFDC00  }
0xde: {  	[hbm4b:s11+s4] =	stream.linear.scatter [tilespmem:s25], [sflag:$0xB], $0x6400, $0x38;
	[tilespmem:$0x1D680] =	vst v63  }
0xdf: {  	_ =	swait.ge [sflag:s12], $0x4000  }
0xe0: {  	[sflag:s12] =	ssyncset.done $0x0  }
0xe1: {  	[sflag:s12] =	ssyncadd.s32 $0xFFFFC000  }
0xe2: {  	_ =	swait.ge [sflag:s12], $0x2400  }
0xe3: {  	[sflag:s12] =	ssyncset.done $0x0  }
0xe4: {  	[sflag:s12] =	ssyncadd.s32 $0xFFFFDC00  }
0xe5: {  	[tilespmem:s31], [sflag:$0x8] =	stream.indirect.gather.add.f32 [spmem:s3], $0x80, s16, s17, $0xb8;
	[tilespmem:$0x1D680] =	vst v63  }
0xe6: {  	s10 =	simm.s32 @!p3 $0xB  }
0xe7: {  	[tilespmem:s0], [sflag:$0x8] =	stream.indirect.gather.add.f32 [spmem:s3], $0x80, s30, s19, $0xb8;
	[tilespmem:$0x1D680] =	vst v63  }
0xe8: {  	_ =	swait.ge @!p3 [sflag:s10], $0x6400  }
0xe9: {  	s14 =	simm.s32 @!p3 $0xE900;
	[sflag:s10] =	ssyncset.done @!p3 $0x0  }
0xea: {  	[sflag:s10] =	ssyncadd.s32 @!p3 $0xFFFF9C00;
	s10 =	simm.s32 @!p3 $0x12900  }
0xeb: {  	[tilespmem:s14], [sflag:$0x3] =	stream.indirect.gather @!p3 [spmem:s2], $0x80, s9, s6, $0xb8;
	[tilespmem:$0x1D680] =	vst v63  }
0xec: {  	s14 =	simm.s32 $0x6100;
	_ =	sdelay $0x1  }
0xed: {  	[tilespmem:s10], [sflag:$0x3] =	stream.indirect.gather @!p3 [spmem:s2], $0x80, s26, s8, $0xb8;
	[tilespmem:$0x1D680] =	vst v63  }
.Ltmp3:
0xee: {  	_ =	swait.ge [sflag:s13], $0x4000;
	(pc) =	sbr.rel @p2 .LBB2_7-.Ltmp3, $4  }
0xef: {  	[sflag:s13] =	ssyncset.done $0x0  }
0xf0: {  	[sflag:s13] =	ssyncadd.s32 $0xFFFFC000  }
0xf1: {  	_ =	swait.ge [sflag:s13], $0x2400  }
0xf2: {  	s8 =	sadd.s32 $0xC80, s11;
	[sflag:s13] =	ssyncset.done $0x0  }
0xf3: {  	[sflag:s13] =	ssyncadd.s32 $0xFFFFDC00;
	s6 =	simm.s32 $0x9  }
0xf4: {  	[hbm4b:s8+s4] =	stream.linear.scatter [tilespmem:s31], [sflag:$0xC], $0x6400, $0x38;
	[tilespmem:$0x1D680] =	vst v63  }
0xf5: {  	_ =	swait.ge [sflag:s6], $0x6400  }
0xf6: {  	[sflag:s6] =	ssyncset.done $0x0  }
0xf7: {  	s11 =	simm.s32 $0xA;
	[sflag:s6] =	ssyncadd.s32 $0xFFFF9C00  }
0xf8: {  	_ =	swait.ge [sflag:s11], $0x6400  }
0xf9: {  	[sflag:s11] =	ssyncset.done $0x0  }
0xfa: {  	s15 =	simm.s32 $0xB;
	[sflag:s11] =	ssyncadd.s32 $0xFFFF9C00  }
0xfb: {  	_ =	swait.ge [sflag:s15], $0x6400  }
0xfc: {  	[sflag:s15] =	ssyncset.done $0x0  }
0xfd: {  	s23 =	simm.s32 $0xC;
	[sflag:s15] =	ssyncadd.s32 $0xFFFF9C00  }
0xfe: {  	_ =	swait.ge [sflag:s23], $0x6400  }
0xff: {  	s9 =	rddreg [dreg:$0xe]  }
0x100: {  	s26 =	rddreg [dreg:$0xa];
	s9 =	sadd.s32 $0x1, s9  }
0x101: {  	p2 =	sne.s32 s9, s26  }
.Ltmp4:
0x102: {  	_ = 	snop;
	(pc) =	sbr.rel @p2 .LBB2_1-.Ltmp4, $3  }
0x103: {  	_ =	sdelay $0x1  }
0x104: {  	[sflag:s23] =	ssyncset.done $0x0  }
0x105: {  	s11 =	simm.s32 $0xD;
	[sflag:s23] =	ssyncadd.s32 $0xFFFF9C00  }
0x106: {  	_ =	sfence.sel $0x180000  }
0x107: {  	[bflag:$0x0] =	sbarrier.arrive $0xFFFF  }
0x108: {  	_ =	strace $0x90000047  }
0x109: {  	s0 =	stileid.u32;
	[bflag:$0x2] =	sbarrier.arrive $0xFFFF  }
0x10a: {  	p0 =	sne.s32 s0, $0x0;
	s0 =	rddreg [dreg:$0x4]  }
0x10b: {  	s0 =	sadd.s32 @!p0 $0x100000, s0  }
0x10c: {  	[sflag:s0] =	ssyncadd.tile.s32 @!p0 $0x1;
	_ =	shalt  }
.Lfunc_end2:
_tile_overlayer_lowered:
.L_overlay_start_2:
0x10d: {  	(tag) =	ssettag $0x2  }
0x10e: {  	s0 =	rddreg [dreg:$0x0];
	s2 =	stileid.u32  }
0x10f: {  	s1 =	rddreg [dreg:$0x1];
	p0 =	sne.s32 s2, $0x0  }
0x110: {  	s3 =	rddreg [dreg:$0x2];
	[bflag:$0x3] =	sbarrier.arrive $0xFFFF;
	s2 =	simm.s32 @!p0 $0x1C0D  }
0x111: {  	[timem:s3], [sflag:s2] =	dma.local @!p0 [hbm:s0], s1  }
0x112: {  	s0 =	simm.s32 @!p0 $0xD  }
0x113: {  	_ =	swait.ge @!p0 [sflag:s0], s1  }
0x114: {  	s1 =	ssub.s32 @!p0 $0x0, s1;
	[sflag:s0] =	ssyncset.done @!p0 $0x0  }
0x115: {  	[sflag:s0] =	ssyncadd.s32 @!p0 s1  }
0x116: {  	[bflag:$0x3] =	sbarrier.arrive $0xFFFF  }
0x117: {  	_ =	shalt  }

</sc_bundles>
